<compile_context>
chip_gen: v7x
topology: tpu7x:2x2x1
jax: 0.10.2.dev20260603
libtpu: 0.0.44.dev20260713+nightly
codegen_flags: <defaults>
</compile_context>

<pallas_src>
import functools

import jax
import jax.numpy as jnp
from jax import lax
from jax.experimental import pallas as pl
from jax.experimental.pallas import tpu as pltpu
from jax.experimental.pallas import tpu_sc as plsc

VOCAB = 100000
D = 300
DP = 384
B = 4096
S = 50
NTOT = B * S
NW = 32
PER_W = NTOT // NW
CH = 128
NCHUNK = PER_W // CH


def _make_gather():
    mesh = plsc.VectorSubcoreMesh(core_axis_name="c", subcore_axis_name="s")

    @functools.partial(
        pl.kernel,
        mesh=mesh,
        out_type=jax.ShapeDtypeStruct((NTOT, DP), jnp.float32),
        scratch_types=[
            pltpu.VMEM((PER_W,), jnp.int32),
            pltpu.VMEM((2, CH, DP), jnp.float32),
            pltpu.SemaphoreType.DMA,
            pltpu.SemaphoreType.DMA,
        ],
        compiler_params=pltpu.CompilerParams(use_tc_tiling_on_sc=True),
    )
    def gather_kernel(idx_hbm, table_hbm, out_hbm, idx_v, rows_v, sem0, sem1):
        wid = lax.axis_index("s") * 2 + lax.axis_index("c")
        base = wid * PER_W
        pltpu.sync_copy(idx_hbm.at[pl.ds(base, PER_W)], idx_v)

        sems = (sem0, sem1)

        def start(c, buf):
            pltpu.async_copy(
                table_hbm.at[idx_v.at[pl.ds(c * CH, CH)]],
                rows_v.at[buf],
                sems[buf],
            )

        def wait(c, buf):
            pltpu.make_async_copy(
                table_hbm.at[idx_v.at[pl.ds(c * CH, CH)]],
                rows_v.at[buf],
                sems[buf],
            ).wait()

        start(0, 0)
        start(1, 1)

        def body(i, _):
            c0 = i * 2
            for b in range(2):
                c = c0 + b
                wait(c, b)
                pltpu.sync_copy(rows_v.at[b],
                                out_hbm.at[pl.ds(base + c * CH, CH)])

                @pl.when(c + 2 < NCHUNK)
                def _():
                    start(c + 2, b)
            return 0

        lax.fori_loop(0, NCHUNK // 2, body, 0)

    return gather_kernel


_gather = _make_gather()


_VB = 4096


def _prep_body(x_ref, o_ref):
    o_ref[...] = jnp.pad(x_ref[...].T, ((0, 0), (0, DP - D)))


_prep_tc = pl.pallas_call(
    _prep_body,
    grid=(pl.cdiv(VOCAB, _VB),),
    in_specs=[pl.BlockSpec((D, _VB), lambda g: (0, g))],
    out_specs=pl.BlockSpec((_VB, DP), lambda g: (g, 0)),
    out_shape=jax.ShapeDtypeStruct((VOCAB, DP), jnp.float32),
)


def _finish_body(x_ref, o_ref):
    o_ref[...] = x_ref[:, :D].T[None]


_finish_tc = pl.pallas_call(
    _finish_body,
    grid=(S,),
    in_specs=[pl.BlockSpec((B, DP), lambda g: (g, 0))],
    out_specs=pl.BlockSpec((1, D, B), lambda g: (g, 0, 0)),
    out_shape=jax.ShapeDtypeStruct((S, D, B), jnp.float32),
)


def kernel(indices, table):
    idx_flat = indices.T.reshape(-1).astype(jnp.int32)
    table_p = _prep_tc(table.T)
    y = _gather(idx_flat, table_p)
    tmp = _finish_tc(y)
    return tmp.transpose(2, 0, 1)

# --- scband reference (transcript-rebuilt; emitter-appended) ---
"""Pipeline reference for scband-glove-embedder-83863531422138 (READ-ONLY COPY).

The authoritative reference and input builder live on the scoring server;
editing this copy changes nothing except your own understanding.
"""

import jax, jax.numpy as jnp
import numpy as np

VOCAB = 100000
WORD_DIM = 300
BATCH = 4096
SEQ = 50

def setup_inputs(seed: int = 0) -> dict:
    key = jax.random.key(seed)
    k_idx, k_tab = jax.random.split(key)
    # tokens_lists are tokenized + padded to ids inside forward; we model the
    # already-converted padded id tensor (id 0 = PADDING, id 1 = UNKNOW).
    indices = jax.random.randint(k_idx, (BATCH, SEQ), 0, VOCAB, dtype=jnp.int64)
    # look_up_table initialized from glove vectors (random stand-in here)
    table = jax.random.normal(k_tab, (VOCAB, WORD_DIM), dtype=jnp.float32)
    return {"indices": indices, "table": table}

def reference(indices, table):
    # embeddings = self.embedder(tokens_padding_id_lists)
    embeddings = jnp.take(table, indices, axis=0)
    return embeddings

if __name__ == "__main__":
    import jax
    _d = setup_inputs()
    print(jax.jit(kernel)(*tuple(_d.values())))

</pallas_src>

<mosaic_0001>
#map = affine_map<(d0, d1) -> (0)>
#map1 = affine_map<(d0, d1) -> (0, 0)>
module attributes {stable_mosaic.version = 14 : i64} {
  func.func @gather_kernel(%arg0: i32, %arg1: i32, %arg2: memref<204800xi32, #tpu.memory_space<hbm>>, %arg3: memref<100000x384xf32, #tpu.memory_space<hbm>>, %arg4: memref<204800x384xf32, #tpu.memory_space<hbm>>, %arg5: memref<6400xi32, #tpu.memory_space<vmem>>, %arg6: memref<2x128x384xf32, #tpu.memory_space<vmem>>, %arg7: memref<!tpu.dma_semaphore, #tpu.memory_space<semaphore_mem>>, %arg8: memref<!tpu.dma_semaphore, #tpu.memory_space<semaphore_mem>>) attributes {dimension_semantics = [#tpu.dimension_semantics<core_parallel>, #tpu.dimension_semantics<subcore_parallel>], iteration_bounds = array<i64: 2, 16>, scalar_prefetch = 0 : i64, scratch_operands = 4 : i64, tpu.core_type = #tpu.core_type<sc_vector_subcore>, window_params = [{transform_indices = #map}, {transform_indices = #map1}, {transform_indices = #map1}]} {
    %mul3A = arith.constant 2 : i32
    %mul3A_0 = arith.muli %arg1, %mul3A : i32
    %add3A = arith.addi %mul3A_0, %arg0 : i32
    %mul3A_1 = arith.constant 6400 : i32
    %mul3A_2 = arith.muli %add3A, %mul3A_1 : i32
    "tpu.region"() ({
      %run_scoped3A = tpu.sem_alloc : memref<!tpu.dma_semaphore, #tpu.memory_space<semaphore_mem>>
      %dma_start3A_28 = tpu.memref_slice %arg2[%mul3A_2] : memref<204800xi32, #tpu.memory_space<hbm>> -> memref<6400xi32, #tpu.memory_space<hbm>>
      %dma_start3A_29 = tpu.memref_slice %arg2[%mul3A_2] : memref<204800xi32, #tpu.memory_space<hbm>> -> memref<6400xi32, #tpu.memory_space<hbm>>
      tpu.enqueue_dma source(%dma_start3A_29 : memref<6400xi32, #tpu.memory_space<hbm>>) target(%arg5 : memref<6400xi32, #tpu.memory_space<vmem>>) target_semaphore(%run_scoped3A : memref<!tpu.dma_semaphore, #tpu.memory_space<semaphore_mem>>)
      %dma_wait3A = tpu.memref_slice %arg2[%mul3A_2] : memref<204800xi32, #tpu.memory_space<hbm>> -> memref<6400xi32, #tpu.memory_space<hbm>>
      %dma_wait3A_30 = tpu.memref_slice %arg2[%mul3A_2] : memref<204800xi32, #tpu.memory_space<hbm>> -> memref<6400xi32, #tpu.memory_space<hbm>>
      tpu.wait_dma2 semaphore(%run_scoped3A : memref<!tpu.dma_semaphore, #tpu.memory_space<semaphore_mem>>) src(%dma_wait3A_30 : memref<6400xi32, #tpu.memory_space<hbm>>) dst(%arg5 : memref<6400xi32, #tpu.memory_space<vmem>>)
      tpu.yield
    }) : () -> ()
    %dma_start3A = arith.constant 0 : i32
    %dma_start3A_3 = arith.constant 0 : i32
    %dma_start3A_4 = arith.constant 0 : i32
    %dma_start3A_5 = tpu.memref_slice %arg6[%dma_start3A, %dma_start3A_3, %dma_start3A_4] : memref<2x128x384xf32, #tpu.memory_space<vmem>> -> memref<1x128x384xf32, #tpu.memory_space<vmem>>
    %dma_start3A_6 = tpu.memref_squeeze %dma_start3A_5 : memref<1x128x384xf32, #tpu.memory_space<vmem>> -> memref<128x384xf32, #tpu.memory_space<vmem>>
    %dma_start3A_7 = arith.constant 0 : i32
    %dma_start3A_8 = tpu.memref_slice %arg5[%dma_start3A_7] : memref<6400xi32, #tpu.memory_space<vmem>> -> memref<128xi32, #tpu.memory_space<vmem>>
    %dma_start3A_9 = arith.constant 0 : i32
    %dma_start3A_10 = arith.constant 0 : i32
    %dma_start3A_11 = tpu.memref_slice %arg3[%dma_start3A_9, %dma_start3A_10] : memref<100000x384xf32, #tpu.memory_space<hbm>> -> memref<100000x384xf32, #tpu.memory_space<hbm>>
    tpu.enqueue_indirect_dma source(%dma_start3A_11 : memref<100000x384xf32, #tpu.memory_space<hbm>>) target(%dma_start3A_6 : memref<128x384xf32, #tpu.memory_space<vmem>>) offsets(%dma_start3A_8 : memref<128xi32, #tpu.memory_space<vmem>>) semaphore(%arg7 : memref<!tpu.dma_semaphore, #tpu.memory_space<semaphore_mem>>)
    %dma_start3A_12 = arith.constant 1 : i32
    %dma_start3A_13 = arith.constant 0 : i32
    %dma_start3A_14 = arith.constant 0 : i32
    %dma_start3A_15 = tpu.memref_slice %arg6[%dma_start3A_12, %dma_start3A_13, %dma_start3A_14] : memref<2x128x384xf32, #tpu.memory_space<vmem>> -> memref<1x128x384xf32, #tpu.memory_space<vmem>>
    %dma_start3A_16 = tpu.memref_squeeze %dma_start3A_15 : memref<1x128x384xf32, #tpu.memory_space<vmem>> -> memref<128x384xf32, #tpu.memory_space<vmem>>
    %dma_start3A_17 = arith.constant 128 : i32
    %dma_start3A_18 = tpu.memref_slice %arg5[%dma_start3A_17] : memref<6400xi32, #tpu.memory_space<vmem>> -> memref<128xi32, #tpu.memory_space<vmem>>
    %dma_start3A_19 = arith.constant 0 : i32
    %dma_start3A_20 = arith.constant 0 : i32
    %dma_start3A_21 = tpu.memref_slice %arg3[%dma_start3A_19, %dma_start3A_20] : memref<100000x384xf32, #tpu.memory_space<hbm>> -> memref<100000x384xf32, #tpu.memory_space<hbm>>
    tpu.enqueue_indirect_dma source(%dma_start3A_21 : memref<100000x384xf32, #tpu.memory_space<hbm>>) target(%dma_start3A_16 : memref<128x384xf32, #tpu.memory_space<vmem>>) offsets(%dma_start3A_18 : memref<128xi32, #tpu.memory_space<vmem>>) semaphore(%arg8 : memref<!tpu.dma_semaphore, #tpu.memory_space<semaphore_mem>>)
    %scan3A = arith.constant 0 : i32
    %scan3A_22 = arith.constant 0 : i32
    %scan3A_23 = arith.constant 25 : i32
    %scan3A_24 = arith.addi %scan3A_22, %scan3A_23 : i32
    %scan3A_25 = arith.constant 1 : i32
    %scan3A_26 = scf.for %scan3A_28 = %scan3A_22 to %scan3A_24 step %scan3A_25 iter_args(%scan3A_29 = %scan3A) -> (i32)  : i32 {
      %mul3A_30 = arith.constant 2 : i32
      %mul3A_31 = arith.muli %scan3A_28, %mul3A_30 : i32
      %add3A_32 = arith.constant 0 : i32
      %add3A_33 = arith.addi %mul3A_31, %add3A_32 : i32
      %mul3A_34 = arith.constant 128 : i32
      %mul3A_35 = arith.muli %add3A_33, %mul3A_34 : i32
      %dma_wait3A = arith.constant 0 : i32
      %dma_wait3A_36 = arith.constant 0 : i32
      %dma_wait3A_37 = arith.constant 0 : i32
      %dma_wait3A_38 = tpu.memref_slice %arg6[%dma_wait3A, %dma_wait3A_36, %dma_wait3A_37] : memref<2x128x384xf32, #tpu.memory_space<vmem>> -> memref<1x128x384xf32, #tpu.memory_space<vmem>>
      %dma_wait3A_39 = tpu.memref_squeeze %dma_wait3A_38 : memref<1x128x384xf32, #tpu.memory_space<vmem>> -> memref<128x384xf32, #tpu.memory_space<vmem>>
      %dma_wait3A_40 = tpu.memref_slice %arg5[%mul3A_35] : memref<6400xi32, #tpu.memory_space<vmem>> -> memref<128xi32, #tpu.memory_space<vmem>>
      %dma_wait3A_41 = arith.constant 0 : i32
      %dma_wait3A_42 = arith.constant 0 : i32
      %dma_wait3A_43 = tpu.memref_slice %arg3[%dma_wait3A_41, %dma_wait3A_42] : memref<100000x384xf32, #tpu.memory_space<hbm>> -> memref<100000x384xf32, #tpu.memory_space<hbm>>
      tpu.wait_indirect_dma semaphore(%arg7 : memref<!tpu.dma_semaphore, #tpu.memory_space<semaphore_mem>>) src(%dma_wait3A_43 : memref<100000x384xf32, #tpu.memory_space<hbm>>) dst(%dma_wait3A_39 : memref<128x384xf32, #tpu.memory_space<vmem>>)
      %mul3A_44 = arith.constant 128 : i32
      %mul3A_45 = arith.muli %add3A_33, %mul3A_44 : i32
      %add3A_46 = arith.addi %mul3A_2, %mul3A_45 : i32
      %run_scoped3A = arith.constant 0 : i32
      "tpu.region"() ({
        %run_scoped3A_76 = tpu.sem_alloc : memref<!tpu.dma_semaphore, #tpu.memory_space<semaphore_mem>>
        %dma_start3A_77 = arith.constant 0 : i32
        %dma_start3A_78 = arith.constant 0 : i32
        %dma_start3A_79 = tpu.memref_slice %arg6[%run_scoped3A, %dma_start3A_77, %dma_start3A_78] : memref<2x128x384xf32, #tpu.memory_space<vmem>> -> memref<1x128x384xf32, #tpu.memory_space<vmem>>
        %dma_start3A_80 = tpu.memref_squeeze %dma_start3A_79 : memref<1x128x384xf32, #tpu.memory_space<vmem>> -> memref<128x384xf32, #tpu.memory_space<vmem>>
        %dma_start3A_81 = arith.constant 0 : i32
        %dma_start3A_82 = tpu.memref_slice %arg4[%add3A_46, %dma_start3A_81] : memref<204800x384xf32, #tpu.memory_space<hbm>> -> memref<128x384xf32, #tpu.memory_space<hbm>>
        %dma_start3A_83 = arith.constant 0 : i32
        %dma_start3A_84 = tpu.memref_slice %arg4[%add3A_46, %dma_start3A_83] : memref<204800x384xf32, #tpu.memory_space<hbm>> -> memref<128x384xf32, #tpu.memory_space<hbm>>
        %dma_start3A_85 = arith.constant 0 : i32
        %dma_start3A_86 = arith.constant 0 : i32
        %dma_start3A_87 = tpu.memref_slice %arg6[%run_scoped3A, %dma_start3A_85, %dma_start3A_86] : memref<2x128x384xf32, #tpu.memory_space<vmem>> -> memref<1x128x384xf32, #tpu.memory_space<vmem>>
        %dma_start3A_88 = tpu.memref_squeeze %dma_start3A_87 : memref<1x128x384xf32, #tpu.memory_space<vmem>> -> memref<128x384xf32, #tpu.memory_space<vmem>>
        tpu.enqueue_dma source(%dma_start3A_88 : memref<128x384xf32, #tpu.memory_space<vmem>>) target(%dma_start3A_84 : memref<128x384xf32, #tpu.memory_space<hbm>>) target_semaphore(%run_scoped3A_76 : memref<!tpu.dma_semaphore, #tpu.memory_space<semaphore_mem>>)
        %dma_wait3A_89 = arith.constant 0 : i32
        %dma_wait3A_90 = arith.constant 0 : i32
        %dma_wait3A_91 = tpu.memref_slice %arg6[%run_scoped3A, %dma_wait3A_89, %dma_wait3A_90] : memref<2x128x384xf32, #tpu.memory_space<vmem>> -> memref<1x128x384xf32, #tpu.memory_space<vmem>>
        %dma_wait3A_92 = tpu.memref_squeeze %dma_wait3A_91 : memref<1x128x384xf32, #tpu.memory_space<vmem>> -> memref<128x384xf32, #tpu.memory_space<vmem>>
        %dma_wait3A_93 = arith.constant 0 : i32
        %dma_wait3A_94 = tpu.memref_slice %arg4[%add3A_46, %dma_wait3A_93] : memref<204800x384xf32, #tpu.memory_space<hbm>> -> memref<128x384xf32, #tpu.memory_space<hbm>>
        %dma_wait3A_95 = arith.constant 0 : i32
        %dma_wait3A_96 = tpu.memref_slice %arg4[%add3A_46, %dma_wait3A_95] : memref<204800x384xf32, #tpu.memory_space<hbm>> -> memref<128x384xf32, #tpu.memory_space<hbm>>
        %dma_wait3A_97 = arith.constant 0 : i32
        %dma_wait3A_98 = arith.constant 0 : i32
        %dma_wait3A_99 = tpu.memref_slice %arg6[%run_scoped3A, %dma_wait3A_97, %dma_wait3A_98] : memref<2x128x384xf32, #tpu.memory_space<vmem>> -> memref<1x128x384xf32, #tpu.memory_space<vmem>>
        %dma_wait3A_100 = tpu.memref_squeeze %dma_wait3A_99 : memref<1x128x384xf32, #tpu.memory_space<vmem>> -> memref<128x384xf32, #tpu.memory_space<vmem>>
        tpu.wait_dma2 semaphore(%run_scoped3A_76 : memref<!tpu.dma_semaphore, #tpu.memory_space<semaphore_mem>>) src(%dma_wait3A_100 : memref<128x384xf32, #tpu.memory_space<vmem>>) dst(%dma_wait3A_96 : memref<128x384xf32, #tpu.memory_space<hbm>>)
        tpu.yield
      }) : () -> ()
      %add3A_47 = arith.constant 2 : i32
      %add3A_48 = arith.addi %add3A_33, %add3A_47 : i32
      %lt3A = arith.constant 50 : i32
      %lt3A_49 = arith.cmpi slt, %add3A_48, %lt3A : i32
      %convert_element_type3A = arith.extui %lt3A_49 : i1 to i32
      %cond3A = arith.constant 0 : i32
      %cond3A_50 = arith.cmpi ne, %convert_element_type3A, %cond3A : i32
      scf.if %cond3A_50 {
        %add3A_76 = arith.constant 2 : i32
        %add3A_77 = arith.addi %add3A_33, %add3A_76 : i32
        %mul3A_78 = arith.constant 128 : i32
        %mul3A_79 = arith.muli %add3A_77, %mul3A_78 : i32
        %dma_start3A_80 = arith.constant 0 : i32
        %dma_start3A_81 = arith.constant 0 : i32
        %dma_start3A_82 = arith.constant 0 : i32
        %dma_start3A_83 = tpu.memref_slice %arg6[%dma_start3A_80, %dma_start3A_81, %dma_start3A_82] : memref<2x128x384xf32, #tpu.memory_space<vmem>> -> memref<1x128x384xf32, #tpu.memory_space<vmem>>
        %dma_start3A_84 = tpu.memref_squeeze %dma_start3A_83 : memref<1x128x384xf32, #tpu.memory_space<vmem>> -> memref<128x384xf32, #tpu.memory_space<vmem>>
        %dma_start3A_85 = tpu.memref_slice %arg5[%mul3A_79] : memref<6400xi32, #tpu.memory_space<vmem>> -> memref<128xi32, #tpu.memory_space<vmem>>
        %dma_start3A_86 = arith.constant 0 : i32
        %dma_start3A_87 = arith.constant 0 : i32
        %dma_start3A_88 = tpu.memref_slice %arg3[%dma_start3A_86, %dma_start3A_87] : memref<100000x384xf32, #tpu.memory_space<hbm>> -> memref<100000x384xf32, #tpu.memory_space<hbm>>
        tpu.enqueue_indirect_dma source(%dma_start3A_88 : memref<100000x384xf32, #tpu.memory_space<hbm>>) target(%dma_start3A_84 : memref<128x384xf32, #tpu.memory_space<vmem>>) offsets(%dma_start3A_85 : memref<128xi32, #tpu.memory_space<vmem>>) semaphore(%arg7 : memref<!tpu.dma_semaphore, #tpu.memory_space<semaphore_mem>>)
      } else {
      }
      %add3A_51 = arith.constant 1 : i32
      %add3A_52 = arith.addi %mul3A_31, %add3A_51 : i32
      %mul3A_53 = arith.constant 128 : i32
      %mul3A_54 = arith.muli %add3A_52, %mul3A_53 : i32
      %dma_wait3A_55 = arith.constant 1 : i32
      %dma_wait3A_56 = arith.constant 0 : i32
      %dma_wait3A_57 = arith.constant 0 : i32
      %dma_wait3A_58 = tpu.memref_slice %arg6[%dma_wait3A_55, %dma_wait3A_56, %dma_wait3A_57] : memref<2x128x384xf32, #tpu.memory_space<vmem>> -> memref<1x128x384xf32, #tpu.memory_space<vmem>>
      %dma_wait3A_59 = tpu.memref_squeeze %dma_wait3A_58 : memref<1x128x384xf32, #tpu.memory_space<vmem>> -> memref<128x384xf32, #tpu.memory_space<vmem>>
      %dma_wait3A_60 = tpu.memref_slice %arg5[%mul3A_54] : memref<6400xi32, #tpu.memory_space<vmem>> -> memref<128xi32, #tpu.memory_space<vmem>>
      %dma_wait3A_61 = arith.constant 0 : i32
      %dma_wait3A_62 = arith.constant 0 : i32
      %dma_wait3A_63 = tpu.memref_slice %arg3[%dma_wait3A_61, %dma_wait3A_62] : memref<100000x384xf32, #tpu.memory_space<hbm>> -> memref<100000x384xf32, #tpu.memory_space<hbm>>
      tpu.wait_indirect_dma semaphore(%arg8 : memref<!tpu.dma_semaphore, #tpu.memory_space<semaphore_mem>>) src(%dma_wait3A_63 : memref<100000x384xf32, #tpu.memory_space<hbm>>) dst(%dma_wait3A_59 : memref<128x384xf32, #tpu.memory_space<vmem>>)
      %mul3A_64 = arith.constant 128 : i32
      %mul3A_65 = arith.muli %add3A_52, %mul3A_64 : i32
      %add3A_66 = arith.addi %mul3A_2, %mul3A_65 : i32
      %run_scoped3A_67 = arith.constant 1 : i32
      "tpu.region"() ({
        %run_scoped3A_76 = tpu.sem_alloc : memref<!tpu.dma_semaphore, #tpu.memory_space<semaphore_mem>>
        %dma_start3A_77 = arith.constant 0 : i32
        %dma_start3A_78 = arith.constant 0 : i32
        %dma_start3A_79 = tpu.memref_slice %arg6[%run_scoped3A_67, %dma_start3A_77, %dma_start3A_78] : memref<2x128x384xf32, #tpu.memory_space<vmem>> -> memref<1x128x384xf32, #tpu.memory_space<vmem>>
        %dma_start3A_80 = tpu.memref_squeeze %dma_start3A_79 : memref<1x128x384xf32, #tpu.memory_space<vmem>> -> memref<128x384xf32, #tpu.memory_space<vmem>>
        %dma_start3A_81 = arith.constant 0 : i32
        %dma_start3A_82 = tpu.memref_slice %arg4[%add3A_66, %dma_start3A_81] : memref<204800x384xf32, #tpu.memory_space<hbm>> -> memref<128x384xf32, #tpu.memory_space<hbm>>
        %dma_start3A_83 = arith.constant 0 : i32
        %dma_start3A_84 = tpu.memref_slice %arg4[%add3A_66, %dma_start3A_83] : memref<204800x384xf32, #tpu.memory_space<hbm>> -> memref<128x384xf32, #tpu.memory_space<hbm>>
        %dma_start3A_85 = arith.constant 0 : i32
        %dma_start3A_86 = arith.constant 0 : i32
        %dma_start3A_87 = tpu.memref_slice %arg6[%run_scoped3A_67, %dma_start3A_85, %dma_start3A_86] : memref<2x128x384xf32, #tpu.memory_space<vmem>> -> memref<1x128x384xf32, #tpu.memory_space<vmem>>
        %dma_start3A_88 = tpu.memref_squeeze %dma_start3A_87 : memref<1x128x384xf32, #tpu.memory_space<vmem>> -> memref<128x384xf32, #tpu.memory_space<vmem>>
        tpu.enqueue_dma source(%dma_start3A_88 : memref<128x384xf32, #tpu.memory_space<vmem>>) target(%dma_start3A_84 : memref<128x384xf32, #tpu.memory_space<hbm>>) target_semaphore(%run_scoped3A_76 : memref<!tpu.dma_semaphore, #tpu.memory_space<semaphore_mem>>)
        %dma_wait3A_89 = arith.constant 0 : i32
        %dma_wait3A_90 = arith.constant 0 : i32
        %dma_wait3A_91 = tpu.memref_slice %arg6[%run_scoped3A_67, %dma_wait3A_89, %dma_wait3A_90] : memref<2x128x384xf32, #tpu.memory_space<vmem>> -> memref<1x128x384xf32, #tpu.memory_space<vmem>>
        %dma_wait3A_92 = tpu.memref_squeeze %dma_wait3A_91 : memref<1x128x384xf32, #tpu.memory_space<vmem>> -> memref<128x384xf32, #tpu.memory_space<vmem>>
        %dma_wait3A_93 = arith.constant 0 : i32
        %dma_wait3A_94 = tpu.memref_slice %arg4[%add3A_66, %dma_wait3A_93] : memref<204800x384xf32, #tpu.memory_space<hbm>> -> memref<128x384xf32, #tpu.memory_space<hbm>>
        %dma_wait3A_95 = arith.constant 0 : i32
        %dma_wait3A_96 = tpu.memref_slice %arg4[%add3A_66, %dma_wait3A_95] : memref<204800x384xf32, #tpu.memory_space<hbm>> -> memref<128x384xf32, #tpu.memory_space<hbm>>
        %dma_wait3A_97 = arith.constant 0 : i32
        %dma_wait3A_98 = arith.constant 0 : i32
        %dma_wait3A_99 = tpu.memref_slice %arg6[%run_scoped3A_67, %dma_wait3A_97, %dma_wait3A_98] : memref<2x128x384xf32, #tpu.memory_space<vmem>> -> memref<1x128x384xf32, #tpu.memory_space<vmem>>
        %dma_wait3A_100 = tpu.memref_squeeze %dma_wait3A_99 : memref<1x128x384xf32, #tpu.memory_space<vmem>> -> memref<128x384xf32, #tpu.memory_space<vmem>>
        tpu.wait_dma2 semaphore(%run_scoped3A_76 : memref<!tpu.dma_semaphore, #tpu.memory_space<semaphore_mem>>) src(%dma_wait3A_100 : memref<128x384xf32, #tpu.memory_space<vmem>>) dst(%dma_wait3A_96 : memref<128x384xf32, #tpu.memory_space<hbm>>)
        tpu.yield
      }) : () -> ()
      %add3A_68 = arith.constant 2 : i32
      %add3A_69 = arith.addi %add3A_52, %add3A_68 : i32
      %lt3A_70 = arith.constant 50 : i32
      %lt3A_71 = arith.cmpi slt, %add3A_69, %lt3A_70 : i32
      %convert_element_type3A_72 = arith.extui %lt3A_71 : i1 to i32
      %cond3A_73 = arith.constant 0 : i32
      %cond3A_74 = arith.cmpi ne, %convert_element_type3A_72, %cond3A_73 : i32
      scf.if %cond3A_74 {
        %add3A_76 = arith.constant 2 : i32
        %add3A_77 = arith.addi %add3A_52, %add3A_76 : i32
        %mul3A_78 = arith.constant 128 : i32
        %mul3A_79 = arith.muli %add3A_77, %mul3A_78 : i32
        %dma_start3A_80 = arith.constant 1 : i32
        %dma_start3A_81 = arith.constant 0 : i32
        %dma_start3A_82 = arith.constant 0 : i32
        %dma_start3A_83 = tpu.memref_slice %arg6[%dma_start3A_80, %dma_start3A_81, %dma_start3A_82] : memref<2x128x384xf32, #tpu.memory_space<vmem>> -> memref<1x128x384xf32, #tpu.memory_space<vmem>>
        %dma_start3A_84 = tpu.memref_squeeze %dma_start3A_83 : memref<1x128x384xf32, #tpu.memory_space<vmem>> -> memref<128x384xf32, #tpu.memory_space<vmem>>
        %dma_start3A_85 = tpu.memref_slice %arg5[%mul3A_79] : memref<6400xi32, #tpu.memory_space<vmem>> -> memref<128xi32, #tpu.memory_space<vmem>>
        %dma_start3A_86 = arith.constant 0 : i32
        %dma_start3A_87 = arith.constant 0 : i32
        %dma_start3A_88 = tpu.memref_slice %arg3[%dma_start3A_86, %dma_start3A_87] : memref<100000x384xf32, #tpu.memory_space<hbm>> -> memref<100000x384xf32, #tpu.memory_space<hbm>>
        tpu.enqueue_indirect_dma source(%dma_start3A_88 : memref<100000x384xf32, #tpu.memory_space<hbm>>) target(%dma_start3A_84 : memref<128x384xf32, #tpu.memory_space<vmem>>) offsets(%dma_start3A_85 : memref<128xi32, #tpu.memory_space<vmem>>) semaphore(%arg8 : memref<!tpu.dma_semaphore, #tpu.memory_space<semaphore_mem>>)
      } else {
      }
      %scan3A_75 = arith.constant 0 : i32
      scf.yield %scan3A_75 : i32
    }
    %scan3A_27 = arith.constant 25 : i32
    return
  }
}

module attributes {stable_mosaic.version = 14 : i64} {
  func.func @_prep_body(%arg0: i32, %arg1: memref<300x4096xf32, #tpu.memory_space<vmem>>, %arg2: memref<4096x384xf32, #tpu.memory_space<vmem>>) attributes {dimension_semantics = [#tpu.dimension_semantics<arbitrary>], iteration_bounds = array<i64: 25>, scalar_prefetch = 0 : i64, scratch_operands = 0 : i64, tpu.core_type = #tpu.core_type<tc>, window_params = [{transform_indices = @transform_0, window_bounds = array<i64: 300, 4096>}, {transform_indices = @transform_1, window_bounds = array<i64: 4096, 384>}]} {
    %get3A = arith.constant 0 : index
    %get3A_0 = arith.constant 0 : index
    %get3A_1 = vector.load %arg1[%get3A, %get3A_0] : memref<300x4096xf32, #tpu.memory_space<vmem>>, vector<300x4096xf32>
    %transpose3A = tpu.transpose %get3A_1, [1, 0] : vector<300x4096xf32> -> vector<4096x300xf32>
    %jit3A = arith.constant 0 : i32
    %convert_element_type3A = arith.sitofp %jit3A : i32 to f32
    %pad3A = vector.broadcast %convert_element_type3A : f32 to vector<4096x84xf32>
    %pad3A_2 = tpu.concatenate %transpose3A, %pad3A in 1 : vector<4096x300xf32>, vector<4096x84xf32> -> vector<4096x384xf32>
    %swap3A = arith.constant 0 : index
    %swap3A_3 = arith.constant 0 : index
    %swap3A_4 = vector.load %arg2[%swap3A, %swap3A_3] : memref<4096x384xf32, #tpu.memory_space<vmem>>, vector<4096x384xf32>
    tpu.vector_store %arg2[%swap3A, %swap3A_3], %pad3A_2 {strides = array<i32>} : memref<4096x384xf32, #tpu.memory_space<vmem>>, vector<4096x384xf32>,
    return
  }
  func.func @transform_0(%arg0: i32) -> (i32, i32) {
    %c0_i32 = arith.constant 0 : i32
    %c0_i32_0 = arith.constant 0 : i32
    return %c0_i32, %arg0 : i32, i32
  }
  func.func @transform_1(%arg0: i32) -> (i32, i32) {
    %c0_i32 = arith.constant 0 : i32
    %c0_i32_0 = arith.constant 0 : i32
    return %arg0, %c0_i32 : i32, i32
  }
}

module attributes {stable_mosaic.version = 14 : i64} {
  func.func @_finish_body(%arg0: i32, %arg1: memref<4096x384xf32, #tpu.memory_space<vmem>>, %arg2: memref<1x300x4096xf32, #tpu.memory_space<vmem>>) attributes {dimension_semantics = [#tpu.dimension_semantics<arbitrary>], iteration_bounds = array<i64: 50>, scalar_prefetch = 0 : i64, scratch_operands = 0 : i64, tpu.core_type = #tpu.core_type<tc>, window_params = [{transform_indices = @transform_0, window_bounds = array<i64: 4096, 384>}, {transform_indices = @transform_1, window_bounds = array<i64: 1, 300, 4096>}]} {
    %get3A = arith.constant 0 : index
    %get3A_0 = arith.constant 0 : index
    %get3A_1 = vector.load %arg1[%get3A, %get3A_0] : memref<4096x384xf32, #tpu.memory_space<vmem>>, vector<4096x300xf32>
    %transpose3A = tpu.transpose %get3A_1, [1, 0] : vector<4096x300xf32> -> vector<300x4096xf32>
    %broadcast_in_dim3A = vector.shape_cast %transpose3A : vector<300x4096xf32> to vector<1x300x4096xf32>
    %swap3A = arith.constant 0 : index
    %swap3A_2 = arith.constant 0 : index
    %swap3A_3 = arith.constant 0 : index
    %swap3A_4 = vector.load %arg2[%swap3A, %swap3A_2, %swap3A_3] : memref<1x300x4096xf32, #tpu.memory_space<vmem>>, vector<1x300x4096xf32>
    tpu.vector_store %arg2[%swap3A, %swap3A_2, %swap3A_3], %broadcast_in_dim3A {strides = array<i32>} : memref<1x300x4096xf32, #tpu.memory_space<vmem>>, vector<1x300x4096xf32>,
    return
  }
  func.func @transform_0(%arg0: i32) -> (i32, i32) {
    %c0_i32 = arith.constant 0 : i32
    %c0_i32_0 = arith.constant 0 : i32
    return %arg0, %c0_i32 : i32, i32
  }
  func.func @transform_1(%arg0: i32) -> (i32, i32, i32) {
    %c0_i32 = arith.constant 0 : i32
    %c0_i32_0 = arith.constant 0 : i32
    %c0_i32_1 = arith.constant 0 : i32
    return %arg0, %c0_i32, %c0_i32_0 : i32, i32, i32
  }
}

</mosaic_0001>

<sc_bundles>
// kernel: kernel.5.cloned.1.call-start
scs
__scs_entry_jumppad:
0x0: {  	(pc) =	sbr.rel $0x88, $3  }
0x1: {  	(tag) =	ssettag $0x0;
	lr =	simm.s32 $0x1  }
0x2: {  	[smem:$0x3F9F] =	sst lr;
	_ =	strace $0xD0000000  }
0x3: {  	_ = 	snop  }
0x4: {  	_ = 	snop  }
0x5: {  	_ = 	snop  }
0x6: {  	_ = 	snop  }
0x7: {  	_ = 	snop  }
__scs_overlays_trampoline_lowered:
0x8: {  	[smem:$0x3FAE] =	sst s0  }
0x9: {  	[smem:$0x3FAF] =	sst s1  }
0xa: {  	[smem:$0x3FB0] =	sst s2  }
0xb: {  	[smem:$0x3FB1] =	sst s3  }
0xc: {  	[smem:$0x3FB2] =	sst s4  }
0xd: {  	[smem:$0x3FB3] =	sst s5  }
0xe: {  	[smem:$0x3FB4] =	sst s6  }
0xf: {  	[smem:$0x3FB5] =	sst s7  }
0x10: {  	[smem:$0x3FB6] =	sst s8  }
0x11: {  	[smem:$0x3FB7] =	sst s9;
	s0 =	simm.s32 @!p0 $0x0  }
0x12: {  	s1 =	sld [smem:$0x3F9D];
	s0 =	simm.s32 @p0 $0x1  }
0x13: {  	[smem:$0x3FB8] =	sst s0;
	s0 =	simm.s32 @!p1 $0x0  }
0x14: {  	s2 =	sld [smem:$0x3F9C];
	s0 =	simm.s32 @p1 $0x1  }
0x15: {  	[smem:$0x3FB9] =	sst s0;
	s0 =	simm.s32 @!p2 $0x0  }
0x16: {  	s3 =	sld [smem:$0x3FDB];
	s0 =	simm.s32 @p2 $0x1  }
0x17: {  	s4 =	simm.s32 $0x1BF5;
	[smem:$0x3FBB] =	sst s0  }
0x18: {  	s0 =	sld [smem:$0x3F9E];
	_ =	swait.ge [sflag:s4], $0x0  }
0x19: {  	s7 =	sld [smem:$0x3F9F]  }
0x1a: {  	s8 =	sadd.s32 $0xFFFFE003, lr  }
0x1b: {  	s9 =	sadd.s32 $0xFFFFFEF7, lr;
	s5 =	simm.s32 $0xFFFFFFFF;
	p2 =	slt.u32 s8, $0xFFFFF086  }
0x1c: {  	p1 =	slt.u32 s9, $0xF7A;
	s5 =	simm.s32 @!p2 $0x0  }
0x1d: {  	s5 =	simm.s32 @p1 $0x1;
	p0 =	seq.s32 s7, s2  }
0x1e: {  	s7 =	smul.u32 @!p0 $0xF7A, s2;
	p2 =	seq.s32 @!p0 s5, $0x0  }
0x1f: {  	s9 =	smul.u32 $0xF7A, s1;
	s8 =	simm.s32 @!p0 $0x1BF5;
	p2 =	por !p2, p0  }
0x20: {  	[sflag:s8] =	ssyncset.s32 @!p0 $0xFFFFF086;
	s6 =	sadd.s32 @!p0 s3, s7;
	s7 =	simm.s32 @!p0 $0x108  }
0x21: {  	s3 =	sadd.s32 s3, s9;
	s6 =	sadd.s32 @!p0 $0x88, s6;
	s7 =	simm.s32 @p2 $0x1082  }
0x22: {  	[simem:s7], [sflag:s8] =	dma.local @!p0 [hbm:s6], $0xF7A  }
0x23: {  	s9 =	sor.u32 $0xD0000000, s2;
	s6 =	simm.s32 $0x108;
	_ =	swait.ge @!p0 [sflag:s8], $0x0  }
0x24: {  	s3 =	sadd.s32 $0x88, s3;
	s6 =	simm.s32 @!p1 $0x1082;
	[sflag:s4] =	ssyncset.s32 $0xFFFFF086  }
0x25: {  	[simem:s6], [sflag:s4] =	dma.local [hbm:s3], $0xF7A  }
0x26: {  	[smem:$0x3F9F] =	sst s1;
	(tag) =	ssettag s2;
	_ =	strace s9  }
0x27: {  	s1 =	sld [smem:$0x3FAF]  }
0x28: {  	s2 =	sld [smem:$0x3FB0]  }
0x29: {  	s4 =	sld [smem:$0x3FB2]  }
0x2a: {  	p0 =	seq.s32 s5, $0x0;
	s5 =	sld [smem:$0x3FB3]  }
0x2b: {  	s6 =	sld [smem:$0x3FB4]  }
0x2c: {  	s7 =	sld [smem:$0x3FB5]  }
0x2d: {  	s3 =	simm.s32 $0x108;
	s8 =	sld [smem:$0x3FB6]  }
0x2e: {  	s3 =	simm.s32 @!p0 $0x1082;
	s9 =	sld [smem:$0x3FB7]  }
0x2f: {  	lr =	sadd.s32 s0, s3;
	s0 =	sld [smem:$0x3FAE]  }
0x30: {  	s3 =	sld [smem:$0x3FB1]  }
0x31: {  	[smem:$0x3FBA] =	sst s10  }
0x32: {  	s10 =	sld [smem:$0x3FB8];
	_ =	sdelay $0x3  }
0x33: {  	p0 =	seq.s32 s10, $0x1;
	s10 =	sld [smem:$0x3FBA];
	_ =	sdelay $0x3  }
0x34: {  	[smem:$0x3FBA] =	sst s10  }
0x35: {  	s10 =	sld [smem:$0x3FB9];
	_ =	sdelay $0x3  }
0x36: {  	p1 =	seq.s32 s10, $0x1;
	s10 =	sld [smem:$0x3FBA];
	_ =	sdelay $0x3  }
0x37: {  	[smem:$0x3FBA] =	sst s10  }
0x38: {  	s10 =	sld [smem:$0x3FBB]  }
0x39: {  	_ = 	snop;
	(pc) =	sbr.ind lr, $3  }
0x3a: {  	_ = 	snop  }
0x3b: {  	_ = 	snop  }
0x3c: {  	p2 =	seq.s32 s10, $0x1;
	s10 =	sld [smem:$0x3FBA]  }
0x3d: {  	_ =	shalt  }
0x3e: {  	_ =	shalt  }
0x3f: {  	_ =	shalt  }
0x40: {  	_ =	shalt  }
0x41: {  	_ =	shalt  }
0x42: {  	_ =	shalt  }
0x43: {  	_ =	shalt  }
0x44: {  	_ =	shalt  }
0x45: {  	_ =	shalt  }
0x46: {  	_ =	shalt  }
0x47: {  	_ =	shalt  }
0x48: {  	_ =	shalt  }
0x49: {  	_ =	shalt  }
0x4a: {  	_ =	shalt  }
0x4b: {  	_ =	shalt  }
0x4c: {  	_ =	shalt  }
0x4d: {  	_ =	shalt  }
0x4e: {  	_ =	shalt  }
0x4f: {  	_ =	shalt  }
0x50: {  	_ =	shalt  }
0x51: {  	_ =	shalt  }
0x52: {  	_ =	shalt  }
0x53: {  	_ =	shalt  }
0x54: {  	_ =	shalt  }
0x55: {  	_ =	shalt  }
0x56: {  	_ =	shalt  }
0x57: {  	_ =	shalt  }
0x58: {  	_ =	shalt  }
0x59: {  	_ =	shalt  }
0x5a: {  	_ =	shalt  }
0x5b: {  	_ =	shalt  }
0x5c: {  	_ =	shalt  }
0x5d: {  	_ =	shalt  }
0x5e: {  	_ =	shalt  }
0x5f: {  	_ =	shalt  }
0x60: {  	_ =	shalt  }
0x61: {  	_ =	shalt  }
0x62: {  	_ =	shalt  }
0x63: {  	_ =	shalt  }
0x64: {  	_ =	shalt  }
0x65: {  	_ =	shalt  }
0x66: {  	_ =	shalt  }
0x67: {  	_ =	shalt  }
0x68: {  	_ =	shalt  }
0x69: {  	_ =	shalt  }
0x6a: {  	_ =	shalt  }
0x6b: {  	_ =	shalt  }
0x6c: {  	_ =	shalt  }
0x6d: {  	_ =	shalt  }
0x6e: {  	_ =	shalt  }
0x6f: {  	_ =	shalt  }
0x70: {  	_ =	shalt  }
0x71: {  	_ =	shalt  }
0x72: {  	_ =	shalt  }
0x73: {  	_ =	shalt  }
0x74: {  	_ =	shalt  }
0x75: {  	_ =	shalt  }
0x76: {  	_ =	shalt  }
0x77: {  	_ =	shalt  }
0x78: {  	_ =	shalt  }
0x79: {  	_ =	shalt  }
0x7a: {  	_ =	shalt  }
0x7b: {  	_ =	shalt  }
0x7c: {  	_ =	shalt  }
0x7d: {  	_ =	shalt  }
0x7e: {  	_ =	shalt  }
0x7f: {  	_ =	shalt  }
0x80: {  	_ =	shalt  }
0x81: {  	_ =	shalt  }
0x82: {  	_ =	shalt  }
0x83: {  	_ =	shalt  }
0x84: {  	_ =	shalt  }
0x85: {  	_ =	shalt  }
0x86: {  	_ =	shalt  }
0x87: {  	_ =	shalt  }
.Lfunc_end0:
.L_simem_size_0:
called_computation_lowered:
.L_overlay_start_0:
0x88: {  	s2 =	sld [smem:$0x3FD9]  }
0x89: {  	s3 =	sld [smem:$0x3FFE];
	_ =	sdelay $0x1  }
0x8a: {  	s1 =	srdreg.scid  }
0x8b: {  	s0 =	sand.u32 $0x1, s1  }
0x8c: {  	s17 =	sshll.u32 s0, $0xA;
	s2 =	sadd.s32 s3, s2  }
0x8d: {  	s2 =	sadd.s32 s2, s17  }
0x8e: {  	[smem:$0x3FC6] =	sst s2  }
0x8f: {  	_ = 	snop  }
0x90: {  	s2 =	sld [smem:$0x3FD0];
	(tm) =	ssettm $0x1  }
0x91: {  	s18 =	sld [smem:$0x3FFB];
	_ =	sdelay $0x3  }
0x92: {  	_ =	strace s18  }
0x93: {  	s3 =	sld [smem:$0x3FFC];
	_ =	sdelay $0x3  }
0x94: {  	_ =	strace s3  }
0x95: {  	s3 =	sld [smem:$0x3FFD];
	_ =	sdelay $0x3  }
0x96: {  	_ =	strace s3  }
0x97: {  	_ =	strace $0x8FFFFFFF  }
0x98: {  	s19 =	sld [smem:$0x3FDB];
	_ =	sdelay $0x1  }
0x99: {  	s4 =	simm.s32 $_scs_section_size  }
0x9a: {  	s5 =	simm.s32 $_size__tile_overlayer_lowered;
	s6 =	simm.s32 $_tile_overlayer_lowered  }
0x9b: {  	s22 =	simm.s32 $0x1BFF;
	s21 =	sshll.u32 s6, $0x1;
	s3 =	sadd.s32 s4, s19  }
0x9c: {  	s7 =	simm.s32 $0x0;
	s20 =	sshll.u32 s5, $0x1;
	s5 =	sadd.s32 s21, s3  }
0x9d: {  	[timem:s7], [sflag:s22] =	dma.local [hbm:s5], s20  }
0x9e: {  	_ =	swait.ge [sflag:s22], s20  }
0x9f: {  	s4 =	ssub.s32 $0x0, s20;
	[sflag:s22] =	ssyncset.done $0x0  }
0xa0: {  	[sflag:s22] =	ssyncadd.s32 s4;
	_ =	sdelay $0x1  }
0xa1: {  	s23 =	simm.s32 $0x1B8B  }
0xa2: {  	_ =	swait.ge [sflag:s23], $0x1  }
0xa3: {  	[sflag:s23] =	ssyncset.done $0x0  }
0xa4: {  	s25 =	simm.s32 $0x1B8E;
	s24 =	sld [smem:$0x3FFE];
	[sflag:s23] =	ssyncadd.s32 $0xFFFFFFFF  }
0xa5: {  	s26 =	simm.s32 $execute0_lowered;
	[smem:$0x3FD2] =	sst s25  }
0xa6: {  	s5 =	sshll.u32 s26, $0x1;
	_ =	strace $0x80000046;
	[dreg:$0x1] =	wrdreg $0xFFFFFFFF  }
0xa7: {  	s28 =	simm.s32 $_size_execute0_lowered;
	s3 =	sadd.s32 s3, s5;
	[dreg:$0x0] =	wrdreg $0x0  }
0xa8: {  	s5 =	sshll.u32 s28, $0x1;
	[dreg:$0x2] =	wrdreg s3  }
0xa9: {  	[dreg:$0x3] =	wrdreg s5  }
0xaa: {  	[dreg:$0x4] =	wrdreg $0xC0  }
0xab: {  	_ =	task [dreg:s7], $0x5FFFF  }
0xac: {  	[dreg:$0x1] =	wrdreg $0xFFFFFFFF  }
0xad: {  	[dreg:$0x0] =	wrdreg $0x60  }
0xae: {  	[dreg:$0x2] =	wrdreg s24  }
0xaf: {  	[dreg:$0x3] =	wrdreg s2  }
0xb0: {  	[dreg:$0x4] =	wrdreg $0x9  }
0xb1: {  	_ =	task.clear_ibuf [dreg:s7], $0x5FFFF;
	_ =	strace $0x90000046  }
0xb2: {  	s29 =	simm.s32 $0x9;
	_ =	strace $0x80000048  }
0xb3: {  	_ =	swait.ge [sflag:s29], $0x1  }
0xb4: {  	[sflag:s29] =	ssyncadd.s32 $0xFFFFFFFF  }
0xb5: {  	_ =	strace $0x90000048  }
0xb6: {  	_ =	sfence  }
0xb7: {  	s30 =	sld [smem:$0x0];
	_ =	sdelay $0x2  }
0xb8: {  	s31 =	sshll.u32 s1, $0xD;
	s1 =	sshrl.u32 s1, $0x2  }
0xb9: {  	s3 =	sand.u32 $0x4000, s31;
	s1 =	sadd.s32 s1, s30  }
0xba: {  	s0 =	sor.u32 s3, s0;
	s1 =	sshll.u32 s1, $0x11  }
0xbb: {  	s0 =	sor.u32 s1, s0  }
0xbc: {  	s0 =	sadd.s32 $0x8F2B, s0  }
0xbd: {  	[sflag:s0] =	ssyncadd.remote.s32 $0x1  }
0xbe: {  	_ =	sfence.sel $0xFFFF  }
0xbf: {  	[dreg:$0x0] =	wrdreg $0xFFFFFFFF;
	(pc) =	sbr.abs _section_cstart, $3  }
0xc0: {  	[dreg:$0x1] =	wrdreg $0xFFFFFFFF  }
0xc1: {  	_ =	task.clear_ibuf [dreg:s7], $0x2FFFF;
	_ =	strace $0x9FFFFFFF  }
0xc2: {  	(tm) =	ssettm $0x7FFFFFFF  }
0xc3: {  	_ =	shalt  }
tec
execute0_lowered:
.L_overlay_start_1:
0x0: {  	(tag) =	ssettag $0x1  }
0x1: {  	s0 =	srdreg.scid  }
0x2: {  	s2 =	stileid.u32;
	s4 =	rddreg [dreg:$0x0]  }
0x3: {  	s3 =	simm.s32 $0x0;
	s9 =	simm.s32 $0x3;
	s10 =	simm.s32 $0x1900  }
0x4: {  	s18 =	simm.s32 $0xD900;
	s11 =	simm.s32 $0x14100;
	s12 =	simm.s32 $0x14500  }
0x5: {  	s13 =	simm.s32 $0x14D00;
	s14 =	simm.s32 $0x15100;
	s15 =	simm.s32 $0x15900  }
0x6: {  	s16 =	simm.s32 $0x15D00;
	s17 =	simm.s32 $0x16500;
	s19 =	simm.s32 $0x16900  }
0x7: {  	s20 =	simm.s32 $0x17100;
	s21 =	simm.s32 $0x17500;
	s22 =	simm.s32 $0x17D00  }
0x8: {  	s23 =	simm.s32 $0x18100;
	s24 =	simm.s32 $0x18900;
	s25 =	simm.s32 $0x18D00  }
0x9: {  	s26 =	simm.s32 $0x19500;
	s28 =	simm.s32 $0x1;
	s29 =	simm.s32 $0x2  }
0xa: {  	s0 =	sand.u32 $0x1, s0;
	s1 =	sshll.u32 s2, $0x1;
	s5 =	smul.u32 $0x3200, s2  }
0xb: {  	s30 =	simm.s32 $0x0;
	s1 =	sor.u32 s0, s1;
	s6 =	smul.u32 $0x1900, s0  }
0xc: {  	[smem:$0x7FF] =	sst s3;
	s0 =	ssub.s32 $0x2, s0;
	s1 =	smul.u32 $0x1900, s1  }
0xd: {  	s2 =	rddreg [dreg:$0x1];
	_ =	strace $0x80000047;
	s7 =	sshrl.u32 s0, $0x1  }
0xe: {  	s5 =	sadd.s32 s6, s5;
	s0 =	ssub.s32 s0, s7;
	s1 =	sshrl.u32 s1, $0x3  }
0xf: {  	s6 =	sor.u32 $0x80, s5;
	s5 =	sshrl.u32 s5, $0x3;
	s0 =	smax.u32 s0, $0x1  }
.Ltmp0:
0x10: {  	s1 =	sadd.s32 s1, s4;
	s4 =	sadd.s32 $0x6800, s4;
	(pc) =	sbr.rel .LBB2_1-.Ltmp0, $4  }
0x11: {  	s6 =	sshrl.u32 s6, $0x3;
	s31 =	smul.u32 $0x180, s5;
	s5 =	sadd.s32 $0x100, s2  }
0x12: {  	v2 =	vlaneseq.u32;
	[dreg:$0x4] =	wrdreg s0;
	s6 =	smul.u32 $0x180, s6;
	s1 =	sadd.s32 $0x400, s1  }
0x13: {  	vm0 =	vmmov $0xffff;
	vm1 =	vmmov $0xff;
	v1 =	vshrl.u32 v2, $0x3;
	s0 =	simm.s32 $0x12D00;
	[dreg:$0x3] =	wrdreg s1;
	s8 =	sadd.s32 s31, s4  }
0x14: {  	v0 =	vand.u32 $0x7, v2;
	v2 =	vor.u32 $0x8, v2;
	v1 =	vmul.u32 $0x8, v1;
	s7 =	sadd.s32 s6, s4;
	s4 =	simm.s32 $0x13500;
	s6 =	simm.s32 $0x13900  }
.LBB2_6:
0x15: {  	s30 =	rddreg [dreg:$0x5]  }
0x16: {  	s1 =	rddreg [dreg:$0x4];
	s30 =	sadd.s32 $0x1, s30  }
0x17: {  	p0 =	sne.s32 s30, s1  }
.Ltmp1:
0x18: {  	_ = 	snop;
	(pc) =	sbr.rel @!p0 .LBB2_7-.Ltmp1, $1  }
0x19: {  	_ =	sdelay $0x3  }
.LBB2_1:
0x1a: {  	[dreg:$0x5] =	wrdreg s30  }
0x1b: {  	s1 =	rddreg [dreg:$0x3]  }
0x1c: {  	[tilespmem:s3], [sflag:$0x3] =	stream.linear.gather [hbm4b:s1+s3], $0x1900, $0x38;
	[tilespmem:$0x19900] =	vst v63  }
0x1d: {  	_ =	swait.ge [sflag:s9], $0x1900  }
0x1e: {  	[sflag:s9] =	ssyncset.done $0x0  }
0x1f: {  	[sflag:s9] =	ssyncadd.s32 $0xFFFFE700  }
0x20: {  	v3 =	vld [tilespmem:$0x0];
	_ =	sdelay $0x4  }
0x21: {  	v4 =	vshrl.u32 v3, $0x3  }
0x22: {  	v4 =	vmul.u32 $0x18, v4  }
0x23: {  	v3 =	vand.u32 $0x7, v3  }
0x24: {  	v3 =	vor.u32 v3, v4  }
0x25: {  	v4 =	vperm.xlane v3, v0;
	_ =	sdelay $0x1  }
0x26: {  	v4 =	vadd.s32 v1, v4;
	_ =	sdelay $0x1  }
0x27: {  	v3 =	vperm.xlane v3, v2;
	_ =	sdelay $0x1  }
0x28: {  	v3 =	vadd.s32 v1, v3  }
0x29: {  	[tilespmem:s10], [sflag:$0x1] =	stream.indirect_vreg.gather [hbm4b:s2+s3], $0x80, v4, vm0, $0xb8;
	[tilespmem:$0x19900] =	vst v63  }
0x2a: {  	s1 =	simm.s32 $0x2100  }
0x2b: {  	[tilespmem:s1], [sflag:$0x1] =	stream.indirect_vreg.gather [hbm4b:s5+s3], $0x80, v4, vm1, $0xb8;
	[tilespmem:$0x19900] =	vst v63  }
0x2c: {  	s1 =	simm.s32 $0x2500  }
0x2d: {  	[tilespmem:s1], [sflag:$0x1] =	stream.indirect_vreg.gather [hbm4b:s2+s3], $0x80, v3, vm0, $0xb8;
	[tilespmem:$0x19900] =	vst v63  }
0x2e: {  	s1 =	simm.s32 $0x2D00  }
0x2f: {  	[tilespmem:s1], [sflag:$0x1] =	stream.indirect_vreg.gather [hbm4b:s5+s3], $0x80, v3, vm1, $0xb8;
	[tilespmem:$0x19900] =	vst v63  }
0x30: {  	v3 =	vld [tilespmem:$0x10];
	_ =	sdelay $0x4  }
0x31: {  	v49 =	vshrl.u32 v3, $0x3  }
0x32: {  	v4 =	vmul.u32 $0x18, v49  }
0x33: {  	v3 =	vand.u32 $0x7, v3  }
0x34: {  	v3 =	vor.u32 v3, v4  }
0x35: {  	v4 =	vperm.xlane v3, v0;
	_ =	sdelay $0x1  }
0x36: {  	v4 =	vadd.s32 v1, v4;
	_ =	sdelay $0x1  }
0x37: {  	v3 =	vperm.xlane v3, v2;
	_ =	sdelay $0x1  }
0x38: {  	s1 =	simm.s32 $0x3100;
	v3 =	vadd.s32 v1, v3  }
0x39: {  	[tilespmem:s1], [sflag:$0x1] =	stream.indirect_vreg.gather [hbm4b:s2+s3], $0x80, v4, vm0, $0xb8;
	[tilespmem:$0x19900] =	vst v63  }
0x3a: {  	s1 =	simm.s32 $0x3900  }
0x3b: {  	[tilespmem:s1], [sflag:$0x1] =	stream.indirect_vreg.gather [hbm4b:s5+s3], $0x80, v4, vm1, $0xb8;
	[tilespmem:$0x19900] =	vst v63  }
0x3c: {  	s1 =	simm.s32 $0x3D00  }
0x3d: {  	[tilespmem:s1], [sflag:$0x1] =	stream.indirect_vreg.gather [hbm4b:s2+s3], $0x80, v3, vm0, $0xb8;
	[tilespmem:$0x19900] =	vst v63  }
0x3e: {  	s1 =	simm.s32 $0x4500  }
0x3f: {  	[tilespmem:s1], [sflag:$0x1] =	stream.indirect_vreg.gather [hbm4b:s5+s3], $0x80, v3, vm1, $0xb8;
	[tilespmem:$0x19900] =	vst v63  }
0x40: {  	v3 =	vld [tilespmem:$0x20];
	_ =	sdelay $0x4  }
0x41: {  	v50 =	vshrl.u32 v3, $0x3  }
0x42: {  	v4 =	vmul.u32 $0x18, v50  }
0x43: {  	v3 =	vand.u32 $0x7, v3  }
0x44: {  	v3 =	vor.u32 v3, v4  }
0x45: {  	v4 =	vperm.xlane v3, v0;
	_ =	sdelay $0x1  }
0x46: {  	v4 =	vadd.s32 v1, v4;
	_ =	sdelay $0x1  }
0x47: {  	v3 =	vperm.xlane v3, v2;
	_ =	sdelay $0x1  }
0x48: {  	s1 =	simm.s32 $0x4900;
	v3 =	vadd.s32 v1, v3  }
0x49: {  	[tilespmem:s1], [sflag:$0x1] =	stream.indirect_vreg.gather [hbm4b:s2+s3], $0x80, v4, vm0, $0xb8;
	[tilespmem:$0x19900] =	vst v63  }
0x4a: {  	s1 =	simm.s32 $0x5100  }
0x4b: {  	[tilespmem:s1], [sflag:$0x1] =	stream.indirect_vreg.gather [hbm4b:s5+s3], $0x80, v4, vm1, $0xb8;
	[tilespmem:$0x19900] =	vst v63  }
0x4c: {  	s1 =	simm.s32 $0x5500  }
0x4d: {  	[tilespmem:s1], [sflag:$0x1] =	stream.indirect_vreg.gather [hbm4b:s2+s3], $0x80, v3, vm0, $0xb8;
	[tilespmem:$0x19900] =	vst v63  }
0x4e: {  	s1 =	simm.s32 $0x5D00  }
0x4f: {  	[tilespmem:s1], [sflag:$0x1] =	stream.indirect_vreg.gather [hbm4b:s5+s3], $0x80, v3, vm1, $0xb8;
	[tilespmem:$0x19900] =	vst v63  }
0x50: {  	v3 =	vld [tilespmem:$0x30];
	_ =	sdelay $0x4  }
0x51: {  	v51 =	vshrl.u32 v3, $0x3  }
0x52: {  	v4 =	vmul.u32 $0x18, v51  }
0x53: {  	v3 =	vand.u32 $0x7, v3  }
0x54: {  	v3 =	vor.u32 v3, v4  }
0x55: {  	v4 =	vperm.xlane v3, v0;
	_ =	sdelay $0x1  }
0x56: {  	v4 =	vadd.s32 v1, v4;
	_ =	sdelay $0x1  }
0x57: {  	v3 =	vperm.xlane v3, v2;
	_ =	sdelay $0x1  }
0x58: {  	s1 =	simm.s32 $0x6100;
	v3 =	vadd.s32 v1, v3  }
0x59: {  	[tilespmem:s1], [sflag:$0x1] =	stream.indirect_vreg.gather [hbm4b:s2+s3], $0x80, v4, vm0, $0xb8;
	[tilespmem:$0x19900] =	vst v63  }
0x5a: {  	s1 =	simm.s32 $0x6900  }
0x5b: {  	[tilespmem:s1], [sflag:$0x1] =	stream.indirect_vreg.gather [hbm4b:s5+s3], $0x80, v4, vm1, $0xb8;
	[tilespmem:$0x19900] =	vst v63  }
0x5c: {  	s1 =	simm.s32 $0x6D00  }
0x5d: {  	[tilespmem:s1], [sflag:$0x1] =	stream.indirect_vreg.gather [hbm4b:s2+s3], $0x80, v3, vm0, $0xb8;
	[tilespmem:$0x19900] =	vst v63  }
0x5e: {  	s1 =	simm.s32 $0x7500  }
0x5f: {  	[tilespmem:s1], [sflag:$0x1] =	stream.indirect_vreg.gather [hbm4b:s5+s3], $0x80, v3, vm1, $0xb8;
	[tilespmem:$0x19900] =	vst v63  }
0x60: {  	v3 =	vld [tilespmem:$0x40];
	_ =	sdelay $0x4  }
0x61: {  	v52 =	vshrl.u32 v3, $0x3  }
0x62: {  	v4 =	vmul.u32 $0x18, v52  }
0x63: {  	v3 =	vand.u32 $0x7, v3  }
0x64: {  	v3 =	vor.u32 v3, v4  }
0x65: {  	v4 =	vperm.xlane v3, v0;
	_ =	sdelay $0x1  }
0x66: {  	v4 =	vadd.s32 v1, v4;
	_ =	sdelay $0x1  }
0x67: {  	v3 =	vperm.xlane v3, v2;
	_ =	sdelay $0x1  }
0x68: {  	s1 =	simm.s32 $0x7900;
	v3 =	vadd.s32 v1, v3  }
0x69: {  	[tilespmem:s1], [sflag:$0x1] =	stream.indirect_vreg.gather [hbm4b:s2+s3], $0x80, v4, vm0, $0xb8;
	[tilespmem:$0x19900] =	vst v63  }
0x6a: {  	s1 =	simm.s32 $0x8100  }
0x6b: {  	[tilespmem:s1], [sflag:$0x1] =	stream.indirect_vreg.gather [hbm4b:s5+s3], $0x80, v4, vm1, $0xb8;
	[tilespmem:$0x19900] =	vst v63  }
0x6c: {  	s1 =	simm.s32 $0x8500  }
0x6d: {  	[tilespmem:s1], [sflag:$0x1] =	stream.indirect_vreg.gather [hbm4b:s2+s3], $0x80, v3, vm0, $0xb8;
	[tilespmem:$0x19900] =	vst v63  }
0x6e: {  	s1 =	simm.s32 $0x8D00  }
0x6f: {  	[tilespmem:s1], [sflag:$0x1] =	stream.indirect_vreg.gather [hbm4b:s5+s3], $0x80, v3, vm1, $0xb8;
	[tilespmem:$0x19900] =	vst v63  }
0x70: {  	v3 =	vld [tilespmem:$0x50];
	_ =	sdelay $0x4  }
0x71: {  	v53 =	vshrl.u32 v3, $0x3  }
0x72: {  	v4 =	vmul.u32 $0x18, v53  }
0x73: {  	v3 =	vand.u32 $0x7, v3  }
0x74: {  	v3 =	vor.u32 v3, v4  }
0x75: {  	v4 =	vperm.xlane v3, v0;
	_ =	sdelay $0x1  }
0x76: {  	v4 =	vadd.s32 v1, v4;
	_ =	sdelay $0x1  }
0x77: {  	v3 =	vperm.xlane v3, v2;
	_ =	sdelay $0x1  }
0x78: {  	s1 =	simm.s32 $0x9100;
	v3 =	vadd.s32 v1, v3  }
0x79: {  	[tilespmem:s1], [sflag:$0x1] =	stream.indirect_vreg.gather [hbm4b:s2+s3], $0x80, v4, vm0, $0xb8;
	[tilespmem:$0x19900] =	vst v63  }
0x7a: {  	s1 =	simm.s32 $0x9900  }
0x7b: {  	[tilespmem:s1], [sflag:$0x1] =	stream.indirect_vreg.gather [hbm4b:s5+s3], $0x80, v4, vm1, $0xb8;
	[tilespmem:$0x19900] =	vst v63  }
0x7c: {  	s1 =	simm.s32 $0x9D00  }
0x7d: {  	[tilespmem:s1], [sflag:$0x1] =	stream.indirect_vreg.gather [hbm4b:s2+s3], $0x80, v3, vm0, $0xb8;
	[tilespmem:$0x19900] =	vst v63  }
0x7e: {  	s1 =	simm.s32 $0xA500  }
0x7f: {  	[tilespmem:s1], [sflag:$0x1] =	stream.indirect_vreg.gather [hbm4b:s5+s3], $0x80, v3, vm1, $0xb8;
	[tilespmem:$0x19900] =	vst v63  }
0x80: {  	v3 =	vld [tilespmem:$0x60];
	_ =	sdelay $0x4  }
0x81: {  	v54 =	vshrl.u32 v3, $0x3  }
0x82: {  	v4 =	vmul.u32 $0x18, v54  }
0x83: {  	v3 =	vand.u32 $0x7, v3  }
0x84: {  	v3 =	vor.u32 v3, v4  }
0x85: {  	v4 =	vperm.xlane v3, v0;
	_ =	sdelay $0x1  }
0x86: {  	v4 =	vadd.s32 v1, v4;
	_ =	sdelay $0x1  }
0x87: {  	v3 =	vperm.xlane v3, v2;
	_ =	sdelay $0x1  }
0x88: {  	s1 =	simm.s32 $0xA900;
	v3 =	vadd.s32 v1, v3  }
0x89: {  	[tilespmem:s1], [sflag:$0x1] =	stream.indirect_vreg.gather [hbm4b:s2+s3], $0x80, v4, vm0, $0xb8;
	[tilespmem:$0x19900] =	vst v63  }
0x8a: {  	s1 =	simm.s32 $0xB100  }
0x8b: {  	[tilespmem:s1], [sflag:$0x1] =	stream.indirect_vreg.gather [hbm4b:s5+s3], $0x80, v4, vm1, $0xb8;
	[tilespmem:$0x19900] =	vst v63  }
0x8c: {  	s1 =	simm.s32 $0xB500  }
0x8d: {  	[tilespmem:s1], [sflag:$0x1] =	stream.indirect_vreg.gather [hbm4b:s2+s3], $0x80, v3, vm0, $0xb8;
	[tilespmem:$0x19900] =	vst v63  }
0x8e: {  	s1 =	simm.s32 $0xBD00  }
0x8f: {  	[tilespmem:s1], [sflag:$0x1] =	stream.indirect_vreg.gather [hbm4b:s5+s3], $0x80, v3, vm1, $0xb8;
	[tilespmem:$0x19900] =	vst v63  }
0x90: {  	v3 =	vld [tilespmem:$0x70];
	_ =	sdelay $0x4  }
0x91: {  	v55 =	vshrl.u32 v3, $0x3  }
0x92: {  	v4 =	vmul.u32 $0x18, v55  }
0x93: {  	v3 =	vand.u32 $0x7, v3  }
0x94: {  	v3 =	vor.u32 v3, v4  }
0x95: {  	v4 =	vperm.xlane v3, v0;
	_ =	sdelay $0x1  }
0x96: {  	v4 =	vadd.s32 v1, v4;
	_ =	sdelay $0x1  }
0x97: {  	v3 =	vperm.xlane v3, v2;
	_ =	sdelay $0x1  }
0x98: {  	s1 =	simm.s32 $0xC100;
	v3 =	vadd.s32 v1, v3  }
0x99: {  	[tilespmem:s1], [sflag:$0x1] =	stream.indirect_vreg.gather [hbm4b:s2+s3], $0x80, v4, vm0, $0xb8;
	[tilespmem:$0x19900] =	vst v63  }
0x9a: {  	s1 =	simm.s32 $0xC900  }
0x9b: {  	[tilespmem:s1], [sflag:$0x1] =	stream.indirect_vreg.gather [hbm4b:s5+s3], $0x80, v4, vm1, $0xb8;
	[tilespmem:$0x19900] =	vst v63  }
0x9c: {  	s1 =	simm.s32 $0xCD00  }
0x9d: {  	[tilespmem:s1], [sflag:$0x1] =	stream.indirect_vreg.gather [hbm4b:s2+s3], $0x80, v3, vm0, $0xb8;
	[tilespmem:$0x19900] =	vst v63  }
0x9e: {  	s1 =	simm.s32 $0xD500  }
0x9f: {  	[tilespmem:s1], [sflag:$0x1] =	stream.indirect_vreg.gather [hbm4b:s5+s3], $0x80, v3, vm1, $0xb8;
	[tilespmem:$0x19900] =	vst v63  }
0xa0: {  	v3 =	vld [tilespmem:$0x80];
	_ =	sdelay $0x4  }
0xa1: {  	v56 =	vshrl.u32 v3, $0x3  }
0xa2: {  	v4 =	vmul.u32 $0x18, v56  }
0xa3: {  	v3 =	vand.u32 $0x7, v3  }
0xa4: {  	v3 =	vor.u32 v3, v4  }
0xa5: {  	v4 =	vperm.xlane v3, v0;
	_ =	sdelay $0x1  }
0xa6: {  	v4 =	vadd.s32 v1, v4;
	_ =	sdelay $0x1  }
0xa7: {  	v3 =	vperm.xlane v3, v2;
	_ =	sdelay $0x1  }
0xa8: {  	v3 =	vadd.s32 v1, v3  }
0xa9: {  	[tilespmem:s18], [sflag:$0x2] =	stream.indirect_vreg.gather [hbm4b:s2+s3], $0x80, v4, vm0, $0xb8;
	[tilespmem:$0x19900] =	vst v63  }
0xaa: {  	s1 =	simm.s32 $0xE100  }
0xab: {  	[tilespmem:s1], [sflag:$0x2] =	stream.indirect_vreg.gather [hbm4b:s5+s3], $0x80, v4, vm1, $0xb8;
	[tilespmem:$0x19900] =	vst v63  }
0xac: {  	s1 =	simm.s32 $0xE500  }
0xad: {  	[tilespmem:s1], [sflag:$0x2] =	stream.indirect_vreg.gather [hbm4b:s2+s3], $0x80, v3, vm0, $0xb8;
	[tilespmem:$0x19900] =	vst v63  }
0xae: {  	s1 =	simm.s32 $0xED00  }
0xaf: {  	[tilespmem:s1], [sflag:$0x2] =	stream.indirect_vreg.gather [hbm4b:s5+s3], $0x80, v3, vm1, $0xb8;
	[tilespmem:$0x19900] =	vst v63  }
0xb0: {  	v3 =	vld [tilespmem:$0x90];
	_ =	sdelay $0x4  }
0xb1: {  	v57 =	vshrl.u32 v3, $0x3  }
0xb2: {  	v4 =	vmul.u32 $0x18, v57  }
0xb3: {  	v3 =	vand.u32 $0x7, v3  }
0xb4: {  	v3 =	vor.u32 v3, v4  }
0xb5: {  	v4 =	vperm.xlane v3, v0;
	_ =	sdelay $0x1  }
0xb6: {  	v4 =	vadd.s32 v1, v4;
	_ =	sdelay $0x1  }
0xb7: {  	v3 =	vperm.xlane v3, v2;
	_ =	sdelay $0x1  }
0xb8: {  	s1 =	simm.s32 $0xF100;
	v3 =	vadd.s32 v1, v3  }
0xb9: {  	[tilespmem:s1], [sflag:$0x2] =	stream.indirect_vreg.gather [hbm4b:s2+s3], $0x80, v4, vm0, $0xb8;
	[tilespmem:$0x19900] =	vst v63  }
0xba: {  	s1 =	simm.s32 $0xF900  }
0xbb: {  	[tilespmem:s1], [sflag:$0x2] =	stream.indirect_vreg.gather [hbm4b:s5+s3], $0x80, v4, vm1, $0xb8;
	[tilespmem:$0x19900] =	vst v63  }
0xbc: {  	s1 =	simm.s32 $0xFD00  }
0xbd: {  	[tilespmem:s1], [sflag:$0x2] =	stream.indirect_vreg.gather [hbm4b:s2+s3], $0x80, v3, vm0, $0xb8;
	[tilespmem:$0x19900] =	vst v63  }
0xbe: {  	s1 =	simm.s32 $0x10500  }
0xbf: {  	[tilespmem:s1], [sflag:$0x2] =	stream.indirect_vreg.gather [hbm4b:s5+s3], $0x80, v3, vm1, $0xb8;
	[tilespmem:$0x19900] =	vst v63  }
0xc0: {  	v3 =	vld [tilespmem:$0xA0];
	_ =	sdelay $0x4  }
0xc1: {  	v58 =	vshrl.u32 v3, $0x3  }
0xc2: {  	v4 =	vmul.u32 $0x18, v58  }
0xc3: {  	v3 =	vand.u32 $0x7, v3  }
0xc4: {  	v3 =	vor.u32 v3, v4  }
0xc5: {  	v4 =	vperm.xlane v3, v0;
	_ =	sdelay $0x1  }
0xc6: {  	v4 =	vadd.s32 v1, v4;
	_ =	sdelay $0x1  }
0xc7: {  	v3 =	vperm.xlane v3, v2;
	_ =	sdelay $0x1  }
0xc8: {  	s1 =	simm.s32 $0x10900;
	v3 =	vadd.s32 v1, v3  }
0xc9: {  	[tilespmem:s1], [sflag:$0x2] =	stream.indirect_vreg.gather [hbm4b:s2+s3], $0x80, v4, vm0, $0xb8;
	[tilespmem:$0x19900] =	vst v63  }
0xca: {  	s1 =	simm.s32 $0x11100  }
0xcb: {  	[tilespmem:s1], [sflag:$0x2] =	stream.indirect_vreg.gather [hbm4b:s5+s3], $0x80, v4, vm1, $0xb8;
	[tilespmem:$0x19900] =	vst v63  }
0xcc: {  	s1 =	simm.s32 $0x11500  }
0xcd: {  	[tilespmem:s1], [sflag:$0x2] =	stream.indirect_vreg.gather [hbm4b:s2+s3], $0x80, v3, vm0, $0xb8;
	[tilespmem:$0x19900] =	vst v63  }
0xce: {  	s1 =	simm.s32 $0x11D00  }
0xcf: {  	[tilespmem:s1], [sflag:$0x2] =	stream.indirect_vreg.gather [hbm4b:s5+s3], $0x80, v3, vm1, $0xb8;
	[tilespmem:$0x19900] =	vst v63  }
0xd0: {  	v3 =	vld [tilespmem:$0xB0];
	_ =	sdelay $0x4  }
0xd1: {  	v59 =	vshrl.u32 v3, $0x3  }
0xd2: {  	v4 =	vmul.u32 $0x18, v59  }
0xd3: {  	v3 =	vand.u32 $0x7, v3  }
0xd4: {  	v3 =	vor.u32 v3, v4  }
0xd5: {  	v4 =	vperm.xlane v3, v0;
	_ =	sdelay $0x1  }
0xd6: {  	v4 =	vadd.s32 v1, v4;
	_ =	sdelay $0x1  }
0xd7: {  	v3 =	vperm.xlane v3, v2;
	_ =	sdelay $0x1  }
0xd8: {  	s1 =	simm.s32 $0x12100;
	v3 =	vadd.s32 v1, v3  }
0xd9: {  	[tilespmem:s1], [sflag:$0x2] =	stream.indirect_vreg.gather [hbm4b:s2+s3], $0x80, v4, vm0, $0xb8;
	[tilespmem:$0x19900] =	vst v63  }
0xda: {  	s1 =	simm.s32 $0x12900  }
0xdb: {  	[tilespmem:s1], [sflag:$0x2] =	stream.indirect_vreg.gather [hbm4b:s5+s3], $0x80, v4, vm1, $0xb8;
	[tilespmem:$0x19900] =	vst v63  }
0xdc: {  	_ = 	snop  }
0xdd: {  	[tilespmem:s0], [sflag:$0x2] =	stream.indirect_vreg.gather [hbm4b:s2+s3], $0x80, v3, vm0, $0xb8;
	[tilespmem:$0x19900] =	vst v63  }
0xde: {  	_ = 	snop  }
0xdf: {  	[tilespmem:s4], [sflag:$0x2] =	stream.indirect_vreg.gather [hbm4b:s5+s3], $0x80, v3, vm1, $0xb8;
	[tilespmem:$0x19900] =	vst v63  }
0xe0: {  	v3 =	vld [tilespmem:$0xC0];
	_ =	sdelay $0x4  }
0xe1: {  	v60 =	vshrl.u32 v3, $0x3  }
0xe2: {  	v4 =	vmul.u32 $0x18, v60  }
0xe3: {  	v3 =	vand.u32 $0x7, v3  }
0xe4: {  	v3 =	vor.u32 v3, v4  }
0xe5: {  	v4 =	vperm.xlane v3, v0;
	_ =	sdelay $0x1  }
0xe6: {  	v4 =	vadd.s32 v1, v4;
	_ =	sdelay $0x1  }
0xe7: {  	v3 =	vperm.xlane v3, v2;
	_ =	sdelay $0x1  }
0xe8: {  	v3 =	vadd.s32 v1, v3  }
0xe9: {  	[tilespmem:s6], [sflag:$0x2] =	stream.indirect_vreg.gather [hbm4b:s2+s3], $0x80, v4, vm0, $0xb8;
	[tilespmem:$0x19900] =	vst v63  }
0xea: {  	_ = 	snop  }
0xeb: {  	[tilespmem:s11], [sflag:$0x2] =	stream.indirect_vreg.gather [hbm4b:s5+s3], $0x80, v4, vm1, $0xb8;
	[tilespmem:$0x19900] =	vst v63  }
0xec: {  	_ = 	snop  }
0xed: {  	[tilespmem:s12], [sflag:$0x2] =	stream.indirect_vreg.gather [hbm4b:s2+s3], $0x80, v3, vm0, $0xb8;
	[tilespmem:$0x19900] =	vst v63  }
0xee: {  	_ = 	snop  }
0xef: {  	[tilespmem:s13], [sflag:$0x2] =	stream.indirect_vreg.gather [hbm4b:s5+s3], $0x80, v3, vm1, $0xb8;
	[tilespmem:$0x19900] =	vst v63  }
0xf0: {  	v3 =	vld [tilespmem:$0xD0];
	_ =	sdelay $0x4  }
0xf1: {  	v61 =	vshrl.u32 v3, $0x3  }
0xf2: {  	v4 =	vmul.u32 $0x18, v61  }
0xf3: {  	v3 =	vand.u32 $0x7, v3  }
0xf4: {  	v3 =	vor.u32 v3, v4  }
0xf5: {  	v4 =	vperm.xlane v3, v0;
	_ =	sdelay $0x1  }
0xf6: {  	v4 =	vadd.s32 v1, v4;
	_ =	sdelay $0x1  }
0xf7: {  	v3 =	vperm.xlane v3, v2;
	_ =	sdelay $0x1  }
0xf8: {  	v3 =	vadd.s32 v1, v3  }
0xf9: {  	[tilespmem:s14], [sflag:$0x2] =	stream.indirect_vreg.gather [hbm4b:s2+s3], $0x80, v4, vm0, $0xb8;
	[tilespmem:$0x19900] =	vst v63  }
0xfa: {  	_ = 	snop  }
0xfb: {  	[tilespmem:s15], [sflag:$0x2] =	stream.indirect_vreg.gather [hbm4b:s5+s3], $0x80, v4, vm1, $0xb8;
	[tilespmem:$0x19900] =	vst v63  }
0xfc: {  	_ = 	snop  }
0xfd: {  	[tilespmem:s16], [sflag:$0x2] =	stream.indirect_vreg.gather [hbm4b:s2+s3], $0x80, v3, vm0, $0xb8;
	[tilespmem:$0x19900] =	vst v63  }
0xfe: {  	_ = 	snop  }
0xff: {  	[tilespmem:s17], [sflag:$0x2] =	stream.indirect_vreg.gather [hbm4b:s5+s3], $0x80, v3, vm1, $0xb8;
	[tilespmem:$0x19900] =	vst v63  }
0x100: {  	v3 =	vld [tilespmem:$0xE0];
	_ =	sdelay $0x4  }
0x101: {  	v62 =	vshrl.u32 v3, $0x3  }
0x102: {  	v4 =	vmul.u32 $0x18, v62  }
0x103: {  	v3 =	vand.u32 $0x7, v3  }
0x104: {  	v3 =	vor.u32 v3, v4  }
0x105: {  	v4 =	vperm.xlane v3, v0;
	_ =	sdelay $0x1  }
0x106: {  	v4 =	vadd.s32 v1, v4;
	_ =	sdelay $0x1  }
0x107: {  	v3 =	vperm.xlane v3, v2;
	_ =	sdelay $0x1  }
0x108: {  	v3 =	vadd.s32 v1, v3  }
0x109: {  	[tilespmem:s19], [sflag:$0x2] =	stream.indirect_vreg.gather [hbm4b:s2+s3], $0x80, v4, vm0, $0xb8;
	[tilespmem:$0x19900] =	vst v63  }
0x10a: {  	_ = 	snop  }
0x10b: {  	[tilespmem:s20], [sflag:$0x2] =	stream.indirect_vreg.gather [hbm4b:s5+s3], $0x80, v4, vm1, $0xb8;
	[tilespmem:$0x19900] =	vst v63  }
0x10c: {  	_ = 	snop  }
0x10d: {  	[tilespmem:s21], [sflag:$0x2] =	stream.indirect_vreg.gather [hbm4b:s2+s3], $0x80, v3, vm0, $0xb8;
	[tilespmem:$0x19900] =	vst v63  }
0x10e: {  	_ = 	snop  }
0x10f: {  	[tilespmem:s22], [sflag:$0x2] =	stream.indirect_vreg.gather [hbm4b:s5+s3], $0x80, v3, vm1, $0xb8;
	[tilespmem:$0x19900] =	vst v63  }
0x110: {  	v3 =	vld [tilespmem:$0xF0];
	_ =	sdelay $0x4  }
0x111: {  	v63 =	vshrl.u32 v3, $0x3  }
0x112: {  	v4 =	vmul.u32 $0x18, v63  }
0x113: {  	v3 =	vand.u32 $0x7, v3  }
0x114: {  	v3 =	vor.u32 v3, v4  }
0x115: {  	v4 =	vperm.xlane v3, v0;
	_ =	sdelay $0x1  }
0x116: {  	v4 =	vadd.s32 v1, v4;
	_ =	sdelay $0x1  }
0x117: {  	v3 =	vperm.xlane v3, v2;
	_ =	sdelay $0x1  }
0x118: {  	v3 =	vadd.s32 v1, v3  }
0x119: {  	[tilespmem:s23], [sflag:$0x2] =	stream.indirect_vreg.gather [hbm4b:s2+s3], $0x80, v4, vm0, $0xb8;
	[tilespmem:$0x19900] =	vst v63  }
0x11a: {  	_ = 	snop  }
0x11b: {  	[tilespmem:s24], [sflag:$0x2] =	stream.indirect_vreg.gather [hbm4b:s5+s3], $0x80, v4, vm1, $0xb8;
	[tilespmem:$0x19900] =	vst v63  }
0x11c: {  	_ = 	snop  }
0x11d: {  	[tilespmem:s25], [sflag:$0x2] =	stream.indirect_vreg.gather [hbm4b:s2+s3], $0x80, v3, vm0, $0xb8;
	[tilespmem:$0x19900] =	vst v63  }
0x11e: {  	s30 =	simm.s32 $0x1F0;
	s31 =	simm.s32 $0x0  }
0x11f: {  	[tilespmem:s26], [sflag:$0x2] =	stream.indirect_vreg.gather [hbm4b:s5+s3], $0x80, v3, vm1, $0xb8;
	[tilespmem:$0x19900] =	vst v63  }
.LBB2_2:
0x120: {  	_ =	swait.ge [sflag:s28], $0xC000  }
0x121: {  	p0 =	seq.s32 s31, $0x48000;
	[sflag:s28] =	ssyncset.done $0x0  }
.Ltmp2:
0x122: {  	s1 =	sadd.s32 s31, s8;
	[sflag:s28] =	ssyncadd.s32 $0xFFFF4000;
	(pc) =	sbr.rel @p0 .LBB2_4-.Ltmp2, $4  }
0x123: {  	[hbm4b:s1+s3] =	stream.linear.scatter [tilespmem:s10], [sflag:$0x3], $0xC000, $0x38;
	[tilespmem:$0x19900] =	vst v63  }
0x124: {  	_ =	swait.ge [sflag:s9], $0xC000  }
0x125: {  	[sflag:s9] =	ssyncset.done $0x0  }
0x126: {  	[sflag:s9] =	ssyncadd.s32 $0xFFFF4000  }
0x127: {  	v3 =	vld [tilespmem:s30+$0xFFFFFF10];
	_ =	sdelay $0x4  }
0x128: {  	v4 =	vshrl.u32 v3, $0x3  }
0x129: {  	v4 =	vmul.u32 $0x18, v4  }
0x12a: {  	v3 =	vand.u32 $0x7, v3  }
0x12b: {  	v3 =	vor.u32 v3, v4  }
0x12c: {  	v4 =	vperm.xlane v3, v0;
	_ =	sdelay $0x1  }
0x12d: {  	v4 =	vadd.s32 v1, v4;
	_ =	sdelay $0x1  }
0x12e: {  	v3 =	vperm.xlane v3, v2;
	_ =	sdelay $0x1  }
0x12f: {  	v3 =	vadd.s32 v1, v3  }
0x130: {  	[tilespmem:s10], [sflag:$0x1] =	stream.indirect_vreg.gather [hbm4b:s2+s3], $0x80, v4, vm0, $0xb8;
	[tilespmem:$0x19900] =	vst v63  }
0x131: {  	s1 =	simm.s32 $0x2100  }
0x132: {  	[tilespmem:s1], [sflag:$0x1] =	stream.indirect_vreg.gather [hbm4b:s5+s3], $0x80, v4, vm1, $0xb8;
	[tilespmem:$0x19900] =	vst v63  }
0x133: {  	s1 =	simm.s32 $0x2500  }
0x134: {  	[tilespmem:s1], [sflag:$0x1] =	stream.indirect_vreg.gather [hbm4b:s2+s3], $0x80, v3, vm0, $0xb8;
	[tilespmem:$0x19900] =	vst v63  }
0x135: {  	s1 =	simm.s32 $0x2D00  }
0x136: {  	[tilespmem:s1], [sflag:$0x1] =	stream.indirect_vreg.gather [hbm4b:s5+s3], $0x80, v3, vm1, $0xb8;
	[tilespmem:$0x19900] =	vst v63  }
0x137: {  	v3 =	vld [tilespmem:s30+$0xFFFFFF20];
	_ =	sdelay $0x4  }
0x138: {  	v57 =	vshrl.u32 v3, $0x3  }
0x139: {  	v4 =	vmul.u32 $0x18, v57  }
0x13a: {  	v3 =	vand.u32 $0x7, v3  }
0x13b: {  	v3 =	vor.u32 v3, v4  }
0x13c: {  	v4 =	vperm.xlane v3, v0;
	_ =	sdelay $0x1  }
0x13d: {  	v4 =	vadd.s32 v1, v4;
	_ =	sdelay $0x1  }
0x13e: {  	v3 =	vperm.xlane v3, v2;
	_ =	sdelay $0x1  }
0x13f: {  	s1 =	simm.s32 $0x3100;
	v3 =	vadd.s32 v1, v3  }
0x140: {  	[tilespmem:s1], [sflag:$0x1] =	stream.indirect_vreg.gather [hbm4b:s2+s3], $0x80, v4, vm0, $0xb8;
	[tilespmem:$0x19900] =	vst v63  }
0x141: {  	s1 =	simm.s32 $0x3900  }
0x142: {  	[tilespmem:s1], [sflag:$0x1] =	stream.indirect_vreg.gather [hbm4b:s5+s3], $0x80, v4, vm1, $0xb8;
	[tilespmem:$0x19900] =	vst v63  }
0x143: {  	s1 =	simm.s32 $0x3D00  }
0x144: {  	[tilespmem:s1], [sflag:$0x1] =	stream.indirect_vreg.gather [hbm4b:s2+s3], $0x80, v3, vm0, $0xb8;
	[tilespmem:$0x19900] =	vst v63  }
0x145: {  	s1 =	simm.s32 $0x4500  }
0x146: {  	[tilespmem:s1], [sflag:$0x1] =	stream.indirect_vreg.gather [hbm4b:s5+s3], $0x80, v3, vm1, $0xb8;
	[tilespmem:$0x19900] =	vst v63  }
0x147: {  	v3 =	vld [tilespmem:s30+$0xFFFFFF30];
	_ =	sdelay $0x4  }
0x148: {  	v58 =	vshrl.u32 v3, $0x3  }
0x149: {  	v4 =	vmul.u32 $0x18, v58  }
0x14a: {  	v3 =	vand.u32 $0x7, v3  }
0x14b: {  	v3 =	vor.u32 v3, v4  }
0x14c: {  	v4 =	vperm.xlane v3, v0;
	_ =	sdelay $0x1  }
0x14d: {  	v4 =	vadd.s32 v1, v4;
	_ =	sdelay $0x1  }
0x14e: {  	v3 =	vperm.xlane v3, v2;
	_ =	sdelay $0x1  }
0x14f: {  	s1 =	simm.s32 $0x4900;
	v3 =	vadd.s32 v1, v3  }
0x150: {  	[tilespmem:s1], [sflag:$0x1] =	stream.indirect_vreg.gather [hbm4b:s2+s3], $0x80, v4, vm0, $0xb8;
	[tilespmem:$0x19900] =	vst v63  }
0x151: {  	s1 =	simm.s32 $0x5100  }
0x152: {  	[tilespmem:s1], [sflag:$0x1] =	stream.indirect_vreg.gather [hbm4b:s5+s3], $0x80, v4, vm1, $0xb8;
	[tilespmem:$0x19900] =	vst v63  }
0x153: {  	s1 =	simm.s32 $0x5500  }
0x154: {  	[tilespmem:s1], [sflag:$0x1] =	stream.indirect_vreg.gather [hbm4b:s2+s3], $0x80, v3, vm0, $0xb8;
	[tilespmem:$0x19900] =	vst v63  }
0x155: {  	s1 =	simm.s32 $0x5D00  }
0x156: {  	[tilespmem:s1], [sflag:$0x1] =	stream.indirect_vreg.gather [hbm4b:s5+s3], $0x80, v3, vm1, $0xb8;
	[tilespmem:$0x19900] =	vst v63  }
0x157: {  	v3 =	vld [tilespmem:s30+$0xFFFFFF40];
	_ =	sdelay $0x4  }
0x158: {  	v59 =	vshrl.u32 v3, $0x3  }
0x159: {  	v4 =	vmul.u32 $0x18, v59  }
0x15a: {  	v3 =	vand.u32 $0x7, v3  }
0x15b: {  	v3 =	vor.u32 v3, v4  }
0x15c: {  	v4 =	vperm.xlane v3, v0;
	_ =	sdelay $0x1  }
0x15d: {  	v4 =	vadd.s32 v1, v4;
	_ =	sdelay $0x1  }
0x15e: {  	v3 =	vperm.xlane v3, v2;
	_ =	sdelay $0x1  }
0x15f: {  	s1 =	simm.s32 $0x6100;
	v3 =	vadd.s32 v1, v3  }
0x160: {  	[tilespmem:s1], [sflag:$0x1] =	stream.indirect_vreg.gather [hbm4b:s2+s3], $0x80, v4, vm0, $0xb8;
	[tilespmem:$0x19900] =	vst v63  }
0x161: {  	s1 =	simm.s32 $0x6900  }
0x162: {  	[tilespmem:s1], [sflag:$0x1] =	stream.indirect_vreg.gather [hbm4b:s5+s3], $0x80, v4, vm1, $0xb8;
	[tilespmem:$0x19900] =	vst v63  }
0x163: {  	s1 =	simm.s32 $0x6D00  }
0x164: {  	[tilespmem:s1], [sflag:$0x1] =	stream.indirect_vreg.gather [hbm4b:s2+s3], $0x80, v3, vm0, $0xb8;
	[tilespmem:$0x19900] =	vst v63  }
0x165: {  	s1 =	simm.s32 $0x7500  }
0x166: {  	[tilespmem:s1], [sflag:$0x1] =	stream.indirect_vreg.gather [hbm4b:s5+s3], $0x80, v3, vm1, $0xb8;
	[tilespmem:$0x19900] =	vst v63  }
0x167: {  	v3 =	vld [tilespmem:s30+$0xFFFFFF50];
	_ =	sdelay $0x4  }
0x168: {  	v60 =	vshrl.u32 v3, $0x3  }
0x169: {  	v4 =	vmul.u32 $0x18, v60  }
0x16a: {  	v3 =	vand.u32 $0x7, v3  }
0x16b: {  	v3 =	vor.u32 v3, v4  }
0x16c: {  	v4 =	vperm.xlane v3, v0;
	_ =	sdelay $0x1  }
0x16d: {  	v4 =	vadd.s32 v1, v4;
	_ =	sdelay $0x1  }
0x16e: {  	v3 =	vperm.xlane v3, v2;
	_ =	sdelay $0x1  }
0x16f: {  	s1 =	simm.s32 $0x7900;
	v3 =	vadd.s32 v1, v3  }
0x170: {  	[tilespmem:s1], [sflag:$0x1] =	stream.indirect_vreg.gather [hbm4b:s2+s3], $0x80, v4, vm0, $0xb8;
	[tilespmem:$0x19900] =	vst v63  }
0x171: {  	s1 =	simm.s32 $0x8100  }
0x172: {  	[tilespmem:s1], [sflag:$0x1] =	stream.indirect_vreg.gather [hbm4b:s5+s3], $0x80, v4, vm1, $0xb8;
	[tilespmem:$0x19900] =	vst v63  }
0x173: {  	s1 =	simm.s32 $0x8500  }
0x174: {  	[tilespmem:s1], [sflag:$0x1] =	stream.indirect_vreg.gather [hbm4b:s2+s3], $0x80, v3, vm0, $0xb8;
	[tilespmem:$0x19900] =	vst v63  }
0x175: {  	s1 =	simm.s32 $0x8D00  }
0x176: {  	[tilespmem:s1], [sflag:$0x1] =	stream.indirect_vreg.gather [hbm4b:s5+s3], $0x80, v3, vm1, $0xb8;
	[tilespmem:$0x19900] =	vst v63  }
0x177: {  	v3 =	vld [tilespmem:s30+$0xFFFFFF60];
	_ =	sdelay $0x4  }
0x178: {  	v61 =	vshrl.u32 v3, $0x3  }
0x179: {  	v4 =	vmul.u32 $0x18, v61  }
0x17a: {  	v3 =	vand.u32 $0x7, v3  }
0x17b: {  	v3 =	vor.u32 v3, v4  }
0x17c: {  	v4 =	vperm.xlane v3, v0;
	_ =	sdelay $0x1  }
0x17d: {  	v4 =	vadd.s32 v1, v4;
	_ =	sdelay $0x1  }
0x17e: {  	v3 =	vperm.xlane v3, v2;
	_ =	sdelay $0x1  }
0x17f: {  	s1 =	simm.s32 $0x9100;
	v3 =	vadd.s32 v1, v3  }
0x180: {  	[tilespmem:s1], [sflag:$0x1] =	stream.indirect_vreg.gather [hbm4b:s2+s3], $0x80, v4, vm0, $0xb8;
	[tilespmem:$0x19900] =	vst v63  }
0x181: {  	s1 =	simm.s32 $0x9900  }
0x182: {  	[tilespmem:s1], [sflag:$0x1] =	stream.indirect_vreg.gather [hbm4b:s5+s3], $0x80, v4, vm1, $0xb8;
	[tilespmem:$0x19900] =	vst v63  }
0x183: {  	s1 =	simm.s32 $0x9D00  }
0x184: {  	[tilespmem:s1], [sflag:$0x1] =	stream.indirect_vreg.gather [hbm4b:s2+s3], $0x80, v3, vm0, $0xb8;
	[tilespmem:$0x19900] =	vst v63  }
0x185: {  	s1 =	simm.s32 $0xA500  }
0x186: {  	[tilespmem:s1], [sflag:$0x1] =	stream.indirect_vreg.gather [hbm4b:s5+s3], $0x80, v3, vm1, $0xb8;
	[tilespmem:$0x19900] =	vst v63  }
0x187: {  	v3 =	vld [tilespmem:s30+$0xFFFFFF70];
	_ =	sdelay $0x4  }
0x188: {  	v62 =	vshrl.u32 v3, $0x3  }
0x189: {  	v4 =	vmul.u32 $0x18, v62  }
0x18a: {  	v3 =	vand.u32 $0x7, v3  }
0x18b: {  	v3 =	vor.u32 v3, v4  }
0x18c: {  	v4 =	vperm.xlane v3, v0;
	_ =	sdelay $0x1  }
0x18d: {  	v4 =	vadd.s32 v1, v4;
	_ =	sdelay $0x1  }
0x18e: {  	v3 =	vperm.xlane v3, v2;
	_ =	sdelay $0x1  }
0x18f: {  	s1 =	simm.s32 $0xA900;
	v3 =	vadd.s32 v1, v3  }
0x190: {  	[tilespmem:s1], [sflag:$0x1] =	stream.indirect_vreg.gather [hbm4b:s2+s3], $0x80, v4, vm0, $0xb8;
	[tilespmem:$0x19900] =	vst v63  }
0x191: {  	s1 =	simm.s32 $0xB100  }
0x192: {  	[tilespmem:s1], [sflag:$0x1] =	stream.indirect_vreg.gather [hbm4b:s5+s3], $0x80, v4, vm1, $0xb8;
	[tilespmem:$0x19900] =	vst v63  }
0x193: {  	s1 =	simm.s32 $0xB500  }
0x194: {  	[tilespmem:s1], [sflag:$0x1] =	stream.indirect_vreg.gather [hbm4b:s2+s3], $0x80, v3, vm0, $0xb8;
	[tilespmem:$0x19900] =	vst v63  }
0x195: {  	s1 =	simm.s32 $0xBD00  }
0x196: {  	[tilespmem:s1], [sflag:$0x1] =	stream.indirect_vreg.gather [hbm4b:s5+s3], $0x80, v3, vm1, $0xb8;
	[tilespmem:$0x19900] =	vst v63  }
0x197: {  	v3 =	vld [tilespmem:s30+$0xFFFFFF80];
	_ =	sdelay $0x4  }
0x198: {  	v63 =	vshrl.u32 v3, $0x3  }
0x199: {  	v4 =	vmul.u32 $0x18, v63  }
0x19a: {  	v3 =	vand.u32 $0x7, v3  }
0x19b: {  	v3 =	vor.u32 v3, v4  }
0x19c: {  	v4 =	vperm.xlane v3, v0;
	_ =	sdelay $0x1  }
0x19d: {  	v4 =	vadd.s32 v1, v4;
	_ =	sdelay $0x1  }
0x19e: {  	v3 =	vperm.xlane v3, v2;
	_ =	sdelay $0x1  }
0x19f: {  	s1 =	simm.s32 $0xC100;
	v3 =	vadd.s32 v1, v3  }
0x1a0: {  	[tilespmem:s1], [sflag:$0x1] =	stream.indirect_vreg.gather [hbm4b:s2+s3], $0x80, v4, vm0, $0xb8;
	[tilespmem:$0x19900] =	vst v63  }
0x1a1: {  	s1 =	simm.s32 $0xC900  }
0x1a2: {  	[tilespmem:s1], [sflag:$0x1] =	stream.indirect_vreg.gather [hbm4b:s5+s3], $0x80, v4, vm1, $0xb8;
	[tilespmem:$0x19900] =	vst v63  }
0x1a3: {  	s1 =	simm.s32 $0xCD00  }
0x1a4: {  	[tilespmem:s1], [sflag:$0x1] =	stream.indirect_vreg.gather [hbm4b:s2+s3], $0x80, v3, vm0, $0xb8;
	[tilespmem:$0x19900] =	vst v63  }
0x1a5: {  	s1 =	simm.s32 $0xD500  }
0x1a6: {  	[tilespmem:s1], [sflag:$0x1] =	stream.indirect_vreg.gather [hbm4b:s5+s3], $0x80, v3, vm1, $0xb8;
	[tilespmem:$0x19900] =	vst v63  }
.LBB2_4:
0x1a7: {  	_ =	swait.ge [sflag:s29], $0xC000  }
0x1a8: {  	[sflag:s29] =	ssyncset.done $0x0  }
.Ltmp3:
0x1a9: {  	s1 =	sadd.s32 s31, s7;
	[sflag:s29] =	ssyncadd.s32 $0xFFFF4000;
	(pc) =	sbr.rel @p0 .LBB2_6-.Ltmp3, $4  }
0x1aa: {  	[hbm4b:s1+s3] =	stream.linear.scatter [tilespmem:s18], [sflag:$0x3], $0xC000, $0x38;
	[tilespmem:$0x19900] =	vst v63  }
0x1ab: {  	_ =	swait.ge [sflag:s9], $0xC000  }
0x1ac: {  	[sflag:s9] =	ssyncset.done $0x0  }
0x1ad: {  	[sflag:s9] =	ssyncadd.s32 $0xFFFF4000  }
0x1ae: {  	v3 =	vld [tilespmem:s30+$0xFFFFFF90];
	_ =	sdelay $0x4  }
0x1af: {  	v4 =	vshrl.u32 v3, $0x3  }
0x1b0: {  	v4 =	vmul.u32 $0x18, v4  }
0x1b1: {  	v3 =	vand.u32 $0x7, v3  }
0x1b2: {  	v3 =	vor.u32 v3, v4  }
0x1b3: {  	v4 =	vperm.xlane v3, v0;
	_ =	sdelay $0x1  }
0x1b4: {  	v4 =	vadd.s32 v1, v4;
	_ =	sdelay $0x1  }
0x1b5: {  	v3 =	vperm.xlane v3, v2;
	_ =	sdelay $0x1  }
0x1b6: {  	v3 =	vadd.s32 v1, v3  }
0x1b7: {  	[tilespmem:s18], [sflag:$0x2] =	stream.indirect_vreg.gather [hbm4b:s2+s3], $0x80, v4, vm0, $0xb8;
	[tilespmem:$0x19900] =	vst v63  }
0x1b8: {  	s1 =	simm.s32 $0xE100  }
0x1b9: {  	[tilespmem:s1], [sflag:$0x2] =	stream.indirect_vreg.gather [hbm4b:s5+s3], $0x80, v4, vm1, $0xb8;
	[tilespmem:$0x19900] =	vst v63  }
0x1ba: {  	s1 =	simm.s32 $0xE500  }
0x1bb: {  	[tilespmem:s1], [sflag:$0x2] =	stream.indirect_vreg.gather [hbm4b:s2+s3], $0x80, v3, vm0, $0xb8;
	[tilespmem:$0x19900] =	vst v63  }
0x1bc: {  	s1 =	simm.s32 $0xED00  }
0x1bd: {  	[tilespmem:s1], [sflag:$0x2] =	stream.indirect_vreg.gather [hbm4b:s5+s3], $0x80, v3, vm1, $0xb8;
	[tilespmem:$0x19900] =	vst v63  }
0x1be: {  	v3 =	vld [tilespmem:s30+$0xFFFFFFA0];
	_ =	sdelay $0x4  }
0x1bf: {  	v57 =	vshrl.u32 v3, $0x3  }
0x1c0: {  	v4 =	vmul.u32 $0x18, v57  }
0x1c1: {  	v3 =	vand.u32 $0x7, v3  }
0x1c2: {  	v3 =	vor.u32 v3, v4  }
0x1c3: {  	v4 =	vperm.xlane v3, v0;
	_ =	sdelay $0x1  }
0x1c4: {  	v4 =	vadd.s32 v1, v4;
	_ =	sdelay $0x1  }
0x1c5: {  	v3 =	vperm.xlane v3, v2;
	_ =	sdelay $0x1  }
0x1c6: {  	s1 =	simm.s32 $0xF100;
	v3 =	vadd.s32 v1, v3  }
0x1c7: {  	[tilespmem:s1], [sflag:$0x2] =	stream.indirect_vreg.gather [hbm4b:s2+s3], $0x80, v4, vm0, $0xb8;
	[tilespmem:$0x19900] =	vst v63  }
0x1c8: {  	s1 =	simm.s32 $0xF900  }
0x1c9: {  	[tilespmem:s1], [sflag:$0x2] =	stream.indirect_vreg.gather [hbm4b:s5+s3], $0x80, v4, vm1, $0xb8;
	[tilespmem:$0x19900] =	vst v63  }
0x1ca: {  	s1 =	simm.s32 $0xFD00  }
0x1cb: {  	[tilespmem:s1], [sflag:$0x2] =	stream.indirect_vreg.gather [hbm4b:s2+s3], $0x80, v3, vm0, $0xb8;
	[tilespmem:$0x19900] =	vst v63  }
0x1cc: {  	s1 =	simm.s32 $0x10500  }
0x1cd: {  	[tilespmem:s1], [sflag:$0x2] =	stream.indirect_vreg.gather [hbm4b:s5+s3], $0x80, v3, vm1, $0xb8;
	[tilespmem:$0x19900] =	vst v63  }
0x1ce: {  	v3 =	vld [tilespmem:s30+$0xFFFFFFB0];
	_ =	sdelay $0x4  }
0x1cf: {  	v58 =	vshrl.u32 v3, $0x3  }
0x1d0: {  	v4 =	vmul.u32 $0x18, v58  }
0x1d1: {  	v3 =	vand.u32 $0x7, v3  }
0x1d2: {  	v3 =	vor.u32 v3, v4  }
0x1d3: {  	v4 =	vperm.xlane v3, v0;
	_ =	sdelay $0x1  }
0x1d4: {  	v4 =	vadd.s32 v1, v4;
	_ =	sdelay $0x1  }
0x1d5: {  	v3 =	vperm.xlane v3, v2;
	_ =	sdelay $0x1  }
0x1d6: {  	s1 =	simm.s32 $0x10900;
	v3 =	vadd.s32 v1, v3  }
0x1d7: {  	[tilespmem:s1], [sflag:$0x2] =	stream.indirect_vreg.gather [hbm4b:s2+s3], $0x80, v4, vm0, $0xb8;
	[tilespmem:$0x19900] =	vst v63  }
0x1d8: {  	s1 =	simm.s32 $0x11100  }
0x1d9: {  	[tilespmem:s1], [sflag:$0x2] =	stream.indirect_vreg.gather [hbm4b:s5+s3], $0x80, v4, vm1, $0xb8;
	[tilespmem:$0x19900] =	vst v63  }
0x1da: {  	s1 =	simm.s32 $0x11500  }
0x1db: {  	[tilespmem:s1], [sflag:$0x2] =	stream.indirect_vreg.gather [hbm4b:s2+s3], $0x80, v3, vm0, $0xb8;
	[tilespmem:$0x19900] =	vst v63  }
0x1dc: {  	s1 =	simm.s32 $0x11D00  }
0x1dd: {  	[tilespmem:s1], [sflag:$0x2] =	stream.indirect_vreg.gather [hbm4b:s5+s3], $0x80, v3, vm1, $0xb8;
	[tilespmem:$0x19900] =	vst v63  }
0x1de: {  	v3 =	vld [tilespmem:s30+$0xFFFFFFC0];
	_ =	sdelay $0x4  }
0x1df: {  	v59 =	vshrl.u32 v3, $0x3  }
0x1e0: {  	v4 =	vmul.u32 $0x18, v59  }
0x1e1: {  	v3 =	vand.u32 $0x7, v3  }
0x1e2: {  	v3 =	vor.u32 v3, v4  }
0x1e3: {  	v4 =	vperm.xlane v3, v0;
	_ =	sdelay $0x1  }
0x1e4: {  	v4 =	vadd.s32 v1, v4;
	_ =	sdelay $0x1  }
0x1e5: {  	v3 =	vperm.xlane v3, v2;
	_ =	sdelay $0x1  }
0x1e6: {  	s1 =	simm.s32 $0x12100;
	v3 =	vadd.s32 v1, v3  }
0x1e7: {  	[tilespmem:s1], [sflag:$0x2] =	stream.indirect_vreg.gather [hbm4b:s2+s3], $0x80, v4, vm0, $0xb8;
	[tilespmem:$0x19900] =	vst v63  }
0x1e8: {  	s1 =	simm.s32 $0x12900  }
0x1e9: {  	[tilespmem:s1], [sflag:$0x2] =	stream.indirect_vreg.gather [hbm4b:s5+s3], $0x80, v4, vm1, $0xb8;
	[tilespmem:$0x19900] =	vst v63  }
0x1ea: {  	_ = 	snop  }
0x1eb: {  	[tilespmem:s0], [sflag:$0x2] =	stream.indirect_vreg.gather [hbm4b:s2+s3], $0x80, v3, vm0, $0xb8;
	[tilespmem:$0x19900] =	vst v63  }
0x1ec: {  	_ = 	snop  }
0x1ed: {  	[tilespmem:s4], [sflag:$0x2] =	stream.indirect_vreg.gather [hbm4b:s5+s3], $0x80, v3, vm1, $0xb8;
	[tilespmem:$0x19900] =	vst v63  }
0x1ee: {  	v3 =	vld [tilespmem:s30+$0xFFFFFFD0];
	_ =	sdelay $0x4  }
0x1ef: {  	v60 =	vshrl.u32 v3, $0x3  }
0x1f0: {  	v4 =	vmul.u32 $0x18, v60  }
0x1f1: {  	v3 =	vand.u32 $0x7, v3  }
0x1f2: {  	v3 =	vor.u32 v3, v4  }
0x1f3: {  	v4 =	vperm.xlane v3, v0;
	_ =	sdelay $0x1  }
0x1f4: {  	v4 =	vadd.s32 v1, v4;
	_ =	sdelay $0x1  }
0x1f5: {  	v3 =	vperm.xlane v3, v2;
	_ =	sdelay $0x1  }
0x1f6: {  	v3 =	vadd.s32 v1, v3  }
0x1f7: {  	[tilespmem:s6], [sflag:$0x2] =	stream.indirect_vreg.gather [hbm4b:s2+s3], $0x80, v4, vm0, $0xb8;
	[tilespmem:$0x19900] =	vst v63  }
0x1f8: {  	_ = 	snop  }
0x1f9: {  	[tilespmem:s11], [sflag:$0x2] =	stream.indirect_vreg.gather [hbm4b:s5+s3], $0x80, v4, vm1, $0xb8;
	[tilespmem:$0x19900] =	vst v63  }
0x1fa: {  	_ = 	snop  }
0x1fb: {  	[tilespmem:s12], [sflag:$0x2] =	stream.indirect_vreg.gather [hbm4b:s2+s3], $0x80, v3, vm0, $0xb8;
	[tilespmem:$0x19900] =	vst v63  }
0x1fc: {  	_ = 	snop  }
0x1fd: {  	[tilespmem:s13], [sflag:$0x2] =	stream.indirect_vreg.gather [hbm4b:s5+s3], $0x80, v3, vm1, $0xb8;
	[tilespmem:$0x19900] =	vst v63  }
0x1fe: {  	v3 =	vld [tilespmem:s30+$0xFFFFFFE0];
	_ =	sdelay $0x4  }
0x1ff: {  	v61 =	vshrl.u32 v3, $0x3  }
0x200: {  	v4 =	vmul.u32 $0x18, v61  }
0x201: {  	v3 =	vand.u32 $0x7, v3  }
0x202: {  	v3 =	vor.u32 v3, v4  }
0x203: {  	v4 =	vperm.xlane v3, v0;
	_ =	sdelay $0x1  }
0x204: {  	v4 =	vadd.s32 v1, v4;
	_ =	sdelay $0x1  }
0x205: {  	v3 =	vperm.xlane v3, v2;
	_ =	sdelay $0x1  }
0x206: {  	v3 =	vadd.s32 v1, v3  }
0x207: {  	[tilespmem:s14], [sflag:$0x2] =	stream.indirect_vreg.gather [hbm4b:s2+s3], $0x80, v4, vm0, $0xb8;
	[tilespmem:$0x19900] =	vst v63  }
0x208: {  	_ = 	snop  }
0x209: {  	[tilespmem:s15], [sflag:$0x2] =	stream.indirect_vreg.gather [hbm4b:s5+s3], $0x80, v4, vm1, $0xb8;
	[tilespmem:$0x19900] =	vst v63  }
0x20a: {  	_ = 	snop  }
0x20b: {  	[tilespmem:s16], [sflag:$0x2] =	stream.indirect_vreg.gather [hbm4b:s2+s3], $0x80, v3, vm0, $0xb8;
	[tilespmem:$0x19900] =	vst v63  }
0x20c: {  	_ = 	snop  }
0x20d: {  	[tilespmem:s17], [sflag:$0x2] =	stream.indirect_vreg.gather [hbm4b:s5+s3], $0x80, v3, vm1, $0xb8;
	[tilespmem:$0x19900] =	vst v63  }
0x20e: {  	v3 =	vld [tilespmem:s30+$0xFFFFFFF0];
	_ =	sdelay $0x4  }
0x20f: {  	v62 =	vshrl.u32 v3, $0x3  }
0x210: {  	v4 =	vmul.u32 $0x18, v62  }
0x211: {  	v3 =	vand.u32 $0x7, v3  }
0x212: {  	v3 =	vor.u32 v3, v4  }
0x213: {  	v4 =	vperm.xlane v3, v0;
	_ =	sdelay $0x1  }
0x214: {  	v4 =	vadd.s32 v1, v4;
	_ =	sdelay $0x1  }
0x215: {  	v3 =	vperm.xlane v3, v2;
	_ =	sdelay $0x1  }
0x216: {  	v3 =	vadd.s32 v1, v3  }
0x217: {  	[tilespmem:s19], [sflag:$0x2] =	stream.indirect_vreg.gather [hbm4b:s2+s3], $0x80, v4, vm0, $0xb8;
	[tilespmem:$0x19900] =	vst v63  }
0x218: {  	_ = 	snop  }
0x219: {  	[tilespmem:s20], [sflag:$0x2] =	stream.indirect_vreg.gather [hbm4b:s5+s3], $0x80, v4, vm1, $0xb8;
	[tilespmem:$0x19900] =	vst v63  }
0x21a: {  	_ = 	snop  }
0x21b: {  	[tilespmem:s21], [sflag:$0x2] =	stream.indirect_vreg.gather [hbm4b:s2+s3], $0x80, v3, vm0, $0xb8;
	[tilespmem:$0x19900] =	vst v63  }
0x21c: {  	_ = 	snop  }
0x21d: {  	[tilespmem:s22], [sflag:$0x2] =	stream.indirect_vreg.gather [hbm4b:s5+s3], $0x80, v3, vm1, $0xb8;
	[tilespmem:$0x19900] =	vst v63  }
0x21e: {  	v3 =	vld [tilespmem:s30+$0x0];
	_ =	sdelay $0x4  }
0x21f: {  	v63 =	vshrl.u32 v3, $0x3  }
0x220: {  	v4 =	vmul.u32 $0x18, v63  }
0x221: {  	v3 =	vand.u32 $0x7, v3  }
0x222: {  	v3 =	vor.u32 v3, v4  }
0x223: {  	v4 =	vperm.xlane v3, v0;
	_ =	sdelay $0x1  }
0x224: {  	v4 =	vadd.s32 v1, v4;
	_ =	sdelay $0x2  }
0x225: {  	v3 =	vperm.xlane v3, v2;
	_ =	sdelay $0x1  }
0x226: {  	v3 =	vadd.s32 v1, v3;
	[tilespmem:s23], [sflag:$0x2] =	stream.indirect_vreg.gather [hbm4b:s2+s3], $0x80, v4, vm0, $0xb8;
	[tilespmem:$0x19900] =	vst v63  }
0x227: {  	_ = 	snop  }
0x228: {  	[tilespmem:s24], [sflag:$0x2] =	stream.indirect_vreg.gather [hbm4b:s5+s3], $0x80, v4, vm1, $0xb8;
	[tilespmem:$0x19900] =	vst v63  }
.Ltmp4:
0x229: {  	_ = 	snop;
	(pc) =	sbr.rel .LBB2_2-.Ltmp4, $4  }
0x22a: {  	_ = 	snop  }
0x22b: {  	[tilespmem:s25], [sflag:$0x2] =	stream.indirect_vreg.gather [hbm4b:s2+s3], $0x80, v3, vm0, $0xb8;
	[tilespmem:$0x19900] =	vst v63  }
0x22c: {  	s31 =	sadd.s32 $0x3000, s31;
	s30 =	sadd.s32 $0x100, s30  }
0x22d: {  	[tilespmem:s26], [sflag:$0x2] =	stream.indirect_vreg.gather [hbm4b:s5+s3], $0x80, v3, vm1, $0xb8;
	[tilespmem:$0x19900] =	vst v63  }
.LBB2_7:
0x22e: {  	_ =	sfence.sel $0x180000  }
0x22f: {  	[bflag:$0x0] =	sbarrier.arrive $0xFFFF  }
0x230: {  	_ =	strace $0x90000047  }
0x231: {  	s0 =	stileid.u32;
	[bflag:$0x2] =	sbarrier.arrive $0xFFFF  }
0x232: {  	p0 =	sne.s32 s0, $0x0;
	s0 =	rddreg [dreg:$0x2]  }
0x233: {  	s0 =	sadd.s32 @!p0 $0x100000, s0  }
0x234: {  	[sflag:s0] =	ssyncadd.tile.s32 @!p0 $0x1;
	_ =	shalt  }
.Lfunc_end2:
_tile_overlayer_lowered:
.L_overlay_start_2:
0x235: {  	(tag) =	ssettag $0x2  }
0x236: {  	s0 =	rddreg [dreg:$0x0];
	s2 =	stileid.u32  }
0x237: {  	s1 =	rddreg [dreg:$0x1];
	p0 =	sne.s32 s2, $0x0  }
0x238: {  	s3 =	rddreg [dreg:$0x2];
	[bflag:$0x3] =	sbarrier.arrive $0xFFFF;
	s2 =	simm.s32 @!p0 $0x1C03  }
0x239: {  	[timem:s3], [sflag:s2] =	dma.local @!p0 [hbm:s0], s1  }
0x23a: {  	s0 =	simm.s32 @!p0 $0x3  }
0x23b: {  	_ =	swait.ge @!p0 [sflag:s0], s1  }
0x23c: {  	s1 =	ssub.s32 @!p0 $0x0, s1;
	[sflag:s0] =	ssyncset.done @!p0 $0x0  }
0x23d: {  	[sflag:s0] =	ssyncadd.s32 @!p0 s1  }
0x23e: {  	[bflag:$0x3] =	sbarrier.arrive $0xFFFF  }
0x23f: {  	_ =	shalt  }

</sc_bundles>
